<compile_context>
chip_gen: v7x
topology: tpu7x:2x2x1
jax: 0.10.2.dev20260603
libtpu: 0.0.44.dev20260713+nightly
codegen_flags: <defaults>
</compile_context>

<pallas_src>
import functools

import jax
import jax.numpy as jnp
from jax import lax
from jax.experimental import pallas as pl
from jax.experimental.pallas import tpu as pltpu
from jax.experimental.pallas import tpu_sc as plsc

B = 4
R = 8192
D = 2048
NC, NS, L = 2, 16, 16
NW = NC * NS
ROWS = B * R
PER_W = ROWS // NW
WPB = R // PER_W
K = 16
NB = 3
NCH = PER_W // K
NT = NCH // NB
TAIL = NCH - NT * NB


def _build_sc_gather():
    mesh = plsc.VectorSubcoreMesh(core_axis_name="c", subcore_axis_name="s")

    @functools.partial(
        pl.kernel,
        mesh=mesh,
        out_type=jax.ShapeDtypeStruct((ROWS, D), jnp.float32),
        scratch_types=[
            pltpu.VMEM((NCH, L), jnp.int32),
            pltpu.VMEM((NB, K, D), jnp.float32),
        ] + [pltpu.SemaphoreType.DMA] * NB,
    )
    def body(x_hbm, perm_hbm, out_hbm, idx_v, ring, *gsem):
        wid = lax.axis_index("s") * NC + lax.axis_index("c")
        batch = wid // WPB
        part = wid % WPB
        pltpu.sync_copy(perm_hbm.at[part], idx_v)
        row_off = batch * R

        def add_off(j, _):
            idx_v[j, :] = idx_v[j, :] + row_off
            return 0

        lax.fori_loop(0, NCH, add_off, 0)

        out_base = wid * PER_W

        def gather(k, b):
            pltpu.async_copy(x_hbm.at[idx_v.at[k]], ring.at[b], gsem[b])

        def gather_wait(k, b):
            pltpu.make_async_copy(x_hbm.at[idx_v.at[k]], ring.at[b],
                                  gsem[b]).wait()

        def write(k, b):
            pltpu.sync_copy(ring.at[b], out_hbm.at[pl.ds(out_base + k * K, K)])

        for b in range(NB):
            gather(b, b)

        def turn(p, _):
            k0 = p * NB
            for b in range(NB):
                gather_wait(k0 + b, b)
                write(k0 + b, b)

                @pl.when(k0 + NB + b < NCH)
                def _(b=b, k0=k0):
                    gather(k0 + NB + b, b)

            return 0

        lax.fori_loop(0, NT, turn, 0)

        for b in range(TAIL):
            gather_wait(NT * NB + b, b)
            write(NT * NB + b, b)

    return body


_sc_gather = _build_sc_gather()


def kernel(inputs, perm):
    x = inputs.reshape(ROWS, D)
    perm3 = perm.reshape(WPB, NCH, L)
    out = _sc_gather(x, perm3)
    return out.reshape(B, R, D)

# --- scband reference (transcript-rebuilt; emitter-appended) ---
"""Pipeline reference for scband-mixer-12378095747693 (READ-ONLY COPY).

The authoritative reference and input builder live on the scoring server;
editing this copy changes nothing except your own understanding.
"""

import jax, jax.numpy as jnp
import numpy as np


def setup_inputs(seed: int = 0) -> dict:
    key = jax.random.key(seed)
    k1, k2 = jax.random.split(key)
    inputs = jax.random.normal(k1, (4, 8192, 2048), dtype=jnp.float32)
    # torch: torch.randperm(dim_size) generated inside forward; materialized here as an
    # explicit int input so the reference is deterministic and jit-able.
    perm = jax.random.permutation(k2, jnp.arange(8192, dtype=jnp.int32))
    return {"inputs": inputs, "perm": perm}


def reference(inputs, perm):
    # action == 'mix' path of Mixer.forward (training mode):
    #   mixed_idxs = randperm(dim_size)  -> perm (closed-over int input)
    #   unmixed_idxs = mixed_idxs.topk(n, largest=False).indices  (inverse perm, stored state)
    #   outputs = inputs.index_select(dim=1, index=mixed_idxs)
    dim = 1
    mixed_idxs = perm
    # topk(largest=False) over the permutation == ascending sort; indices == argsort
    unmixed_idxs = jnp.argsort(mixed_idxs)  # stored as module state for later 'unmix' call
    outputs = jnp.take(inputs, mixed_idxs, axis=dim)
    return outputs

if __name__ == "__main__":
    import jax
    _d = setup_inputs()
    print(jax.jit(kernel)(*tuple(_d.values())))

</pallas_src>

<mosaic_0001>
#map = affine_map<(d0, d1) -> (0, 0)>
#map1 = affine_map<(d0, d1) -> (0, 0, 0)>
module attributes {stable_mosaic.version = 14 : i64} {
  func.func @body(%arg0: i32, %arg1: i32, %arg2: memref<32768x2048xf32, #tpu.memory_space<hbm>>, %arg3: memref<8x64x16xi32, #tpu.memory_space<hbm>>, %arg4: memref<32768x2048xf32, #tpu.memory_space<hbm>>, %arg5: memref<64x16xi32, #tpu.memory_space<vmem>>, %arg6: memref<3x16x2048xf32, #tpu.memory_space<vmem>>, %arg7: memref<!tpu.dma_semaphore, #tpu.memory_space<semaphore_mem>>, %arg8: memref<!tpu.dma_semaphore, #tpu.memory_space<semaphore_mem>>, %arg9: memref<!tpu.dma_semaphore, #tpu.memory_space<semaphore_mem>>) attributes {dimension_semantics = [#tpu.dimension_semantics<core_parallel>, #tpu.dimension_semantics<subcore_parallel>], iteration_bounds = array<i64: 2, 16>, scalar_prefetch = 0 : i64, scratch_operands = 5 : i64, tpu.core_type = #tpu.core_type<sc_vector_subcore>, window_params = [{transform_indices = #map}, {transform_indices = #map1}, {transform_indices = #map}]} {
    %mul3A = arith.constant 2 : i32
    %mul3A_0 = arith.muli %arg1, %mul3A : i32
    %add3A = arith.addi %mul3A_0, %arg0 : i32
    %jit3A = arith.constant 8 : i32
    %div3A = arith.divsi %add3A, %jit3A : i32
    %sign3A = arith.constant 0 : i32
    %sign3A_1 = arith.cmpi sgt, %add3A, %sign3A : i32
    %sign3A_2 = arith.extui %sign3A_1 : i1 to i32
    %sign3A_3 = arith.constant 0 : i32
    %sign3A_4 = arith.cmpi slt, %add3A, %sign3A_3 : i32
    %sign3A_5 = arith.extui %sign3A_4 : i1 to i32
    %sign3A_6 = arith.subi %sign3A_2, %sign3A_5 : i32
    %sign3A_7 = arith.constant 0 : i32
    %sign3A_8 = arith.cmpi sgt, %jit3A, %sign3A_7 : i32
    %sign3A_9 = arith.extui %sign3A_8 : i1 to i32
    %sign3A_10 = arith.constant 0 : i32
    %sign3A_11 = arith.cmpi slt, %jit3A, %sign3A_10 : i32
    %sign3A_12 = arith.extui %sign3A_11 : i1 to i32
    %sign3A_13 = arith.subi %sign3A_9, %sign3A_12 : i32
    %ne3A = arith.cmpi ne, %sign3A_6, %sign3A_13 : i32
    %rem3A = arith.remsi %add3A, %jit3A : i32
    %ne3A_14 = arith.constant 0 : i32
    %ne3A_15 = arith.cmpi ne, %rem3A, %ne3A_14 : i32
    %and3A = arith.andi %ne3A, %ne3A_15 : i1
    %sub3A = arith.constant 1 : i32
    %sub3A_16 = arith.subi %div3A, %sub3A : i32
    %select_n3A = arith.select %and3A, %sub3A_16, %div3A : i32
    %jit3A_17 = arith.constant 8 : i32
    %eq3A = arith.constant 0 : i32
    %eq3A_18 = arith.cmpi eq, %jit3A_17, %eq3A : i32
    %jit3A_19 = arith.constant 1 : i32
    %select_n3A_20 = arith.select %eq3A_18, %jit3A_19, %jit3A_17 : i32
    %rem3A_21 = arith.remsi %add3A, %select_n3A_20 : i32
    %ne3A_22 = arith.constant 0 : i32
    %ne3A_23 = arith.cmpi ne, %rem3A_21, %ne3A_22 : i32
    %lt3A = arith.constant 0 : i32
    %lt3A_24 = arith.cmpi slt, %rem3A_21, %lt3A : i32
    %lt3A_25 = arith.constant 0 : i32
    %lt3A_26 = arith.cmpi slt, %select_n3A_20, %lt3A_25 : i32
    %ne3A_27 = arith.xori %lt3A_24, %lt3A_26 : i1
    %and3A_28 = arith.andi %ne3A_27, %ne3A_23 : i1
    %add3A_29 = arith.addi %rem3A_21, %select_n3A_20 : i32
    %select_n3A_30 = arith.select %and3A_28, %add3A_29, %rem3A_21 : i32
    "tpu.region"() ({
      %run_scoped3A_96 = tpu.sem_alloc : memref<!tpu.dma_semaphore, #tpu.memory_space<semaphore_mem>>
      %dma_start3A_97 = arith.constant 0 : i32
      %dma_start3A_98 = arith.constant 0 : i32
      %dma_start3A_99 = tpu.memref_slice %arg3[%select_n3A_30, %dma_start3A_97, %dma_start3A_98] : memref<8x64x16xi32, #tpu.memory_space<hbm>> -> memref<1x64x16xi32, #tpu.memory_space<hbm>>
      %dma_start3A_100 = tpu.memref_squeeze %dma_start3A_99 : memref<1x64x16xi32, #tpu.memory_space<hbm>> -> memref<64x16xi32, #tpu.memory_space<hbm>>
      %dma_start3A_101 = arith.constant 0 : i32
      %dma_start3A_102 = arith.constant 0 : i32
      %dma_start3A_103 = tpu.memref_slice %arg3[%select_n3A_30, %dma_start3A_101, %dma_start3A_102] : memref<8x64x16xi32, #tpu.memory_space<hbm>> -> memref<1x64x16xi32, #tpu.memory_space<hbm>>
      %dma_start3A_104 = tpu.memref_squeeze %dma_start3A_103 : memref<1x64x16xi32, #tpu.memory_space<hbm>> -> memref<64x16xi32, #tpu.memory_space<hbm>>
      tpu.enqueue_dma source(%dma_start3A_104 : memref<64x16xi32, #tpu.memory_space<hbm>>) target(%arg5 : memref<64x16xi32, #tpu.memory_space<vmem>>) target_semaphore(%run_scoped3A_96 : memref<!tpu.dma_semaphore, #tpu.memory_space<semaphore_mem>>)
      %dma_wait3A_105 = arith.constant 0 : i32
      %dma_wait3A_106 = arith.constant 0 : i32
      %dma_wait3A_107 = tpu.memref_slice %arg3[%select_n3A_30, %dma_wait3A_105, %dma_wait3A_106] : memref<8x64x16xi32, #tpu.memory_space<hbm>> -> memref<1x64x16xi32, #tpu.memory_space<hbm>>
      %dma_wait3A_108 = tpu.memref_squeeze %dma_wait3A_107 : memref<1x64x16xi32, #tpu.memory_space<hbm>> -> memref<64x16xi32, #tpu.memory_space<hbm>>
      %dma_wait3A_109 = arith.constant 0 : i32
      %dma_wait3A_110 = arith.constant 0 : i32
      %dma_wait3A_111 = tpu.memref_slice %arg3[%select_n3A_30, %dma_wait3A_109, %dma_wait3A_110] : memref<8x64x16xi32, #tpu.memory_space<hbm>> -> memref<1x64x16xi32, #tpu.memory_space<hbm>>
      %dma_wait3A_112 = tpu.memref_squeeze %dma_wait3A_111 : memref<1x64x16xi32, #tpu.memory_space<hbm>> -> memref<64x16xi32, #tpu.memory_space<hbm>>
      tpu.wait_dma2 semaphore(%run_scoped3A_96 : memref<!tpu.dma_semaphore, #tpu.memory_space<semaphore_mem>>) src(%dma_wait3A_112 : memref<64x16xi32, #tpu.memory_space<hbm>>) dst(%arg5 : memref<64x16xi32, #tpu.memory_space<vmem>>)
      tpu.yield
    }) : () -> ()
    %mul3A_31 = arith.constant 8192 : i32
    %mul3A_32 = arith.muli %select_n3A, %mul3A_31 : i32
    %scan3A = arith.constant 0 : i32
    %scan3A_33 = arith.constant 0 : i32
    %scan3A_34 = arith.constant 64 : i32
    %scan3A_35 = arith.addi %scan3A_33, %scan3A_34 : i32
    %scan3A_36 = arith.constant 1 : i32
    %scan3A_37 = scf.for %scan3A_96 = %scan3A_33 to %scan3A_35 step %scan3A_36 iter_args(%scan3A_97 = %scan3A) -> (i32)  : i32 {
      %get3A = arith.index_cast %scan3A_96 : i32 to index
      %get3A_98 = arith.constant 0 : index
      %get3A_99 = tpu.vector_load %arg5[%get3A, %get3A_98] {strides = array<i32>} : memref<64x16xi32, #tpu.memory_space<vmem>>, vector<1x16xi32>,
      %get3A_100 = vector.shape_cast %get3A_99 : vector<1x16xi32> to vector<16xi32>
      %add3A_101 = vector.broadcast %mul3A_32 : i32 to vector<16xi32>
      %add3A_102 = arith.addi %get3A_100, %add3A_101 : vector<16xi32>
      %swap3A = arith.index_cast %scan3A_96 : i32 to index
      %swap3A_103 = arith.constant 0 : index
      %swap3A_104 = tpu.vector_load %arg5[%swap3A, %swap3A_103] {strides = array<i32>} : memref<64x16xi32, #tpu.memory_space<vmem>>, vector<1x16xi32>,
      %swap3A_105 = vector.shape_cast %swap3A_104 : vector<1x16xi32> to vector<16xi32>
      %swap3A_106 = vector.shape_cast %add3A_102 : vector<16xi32> to vector<1x16xi32>
      tpu.vector_store %arg5[%swap3A, %swap3A_103], %swap3A_106 {strides = array<i32>} : memref<64x16xi32, #tpu.memory_space<vmem>>, vector<1x16xi32>,
      %scan3A_107 = arith.constant 0 : i32
      scf.yield %scan3A_107 : i32
    }
    %scan3A_38 = arith.constant 64 : i32
    %mul3A_39 = arith.constant 1024 : i32
    %mul3A_40 = arith.muli %add3A, %mul3A_39 : i32
    %dma_start3A = arith.constant 0 : i32
    %dma_start3A_41 = arith.constant 0 : i32
    %dma_start3A_42 = arith.constant 0 : i32
    %dma_start3A_43 = arith.constant 0 : i32
    %dma_start3A_44 = tpu.memref_slice %arg6[%dma_start3A_41, %dma_start3A_42, %dma_start3A_43] : memref<3x16x2048xf32, #tpu.memory_space<vmem>> -> memref<1x16x2048xf32, #tpu.memory_space<vmem>>
    %dma_start3A_45 = tpu.memref_squeeze %dma_start3A_44 : memref<1x16x2048xf32, #tpu.memory_space<vmem>> -> memref<16x2048xf32, #tpu.memory_space<vmem>>
    %dma_start3A_46 = arith.constant 0 : i32
    %dma_start3A_47 = tpu.memref_slice %arg5[%dma_start3A, %dma_start3A_46] : memref<64x16xi32, #tpu.memory_space<vmem>> -> memref<1x16xi32, #tpu.memory_space<vmem>>
    %dma_start3A_48 = tpu.memref_squeeze %dma_start3A_47 : memref<1x16xi32, #tpu.memory_space<vmem>> -> memref<16xi32, #tpu.memory_space<vmem>>
    %dma_start3A_49 = arith.constant 0 : i32
    %dma_start3A_50 = arith.constant 0 : i32
    %dma_start3A_51 = tpu.memref_slice %arg2[%dma_start3A_49, %dma_start3A_50] : memref<32768x2048xf32, #tpu.memory_space<hbm>> -> memref<32768x2048xf32, #tpu.memory_space<hbm>>
    tpu.enqueue_indirect_dma source(%dma_start3A_51 : memref<32768x2048xf32, #tpu.memory_space<hbm>>) target(%dma_start3A_45 : memref<16x2048xf32, #tpu.memory_space<vmem>>) offsets(%dma_start3A_48 : memref<16xi32, #tpu.memory_space<vmem>>) semaphore(%arg7 : memref<!tpu.dma_semaphore, #tpu.memory_space<semaphore_mem>>)
    %dma_start3A_52 = arith.constant 1 : i32
    %dma_start3A_53 = arith.constant 1 : i32
    %dma_start3A_54 = arith.constant 0 : i32
    %dma_start3A_55 = arith.constant 0 : i32
    %dma_start3A_56 = tpu.memref_slice %arg6[%dma_start3A_53, %dma_start3A_54, %dma_start3A_55] : memref<3x16x2048xf32, #tpu.memory_space<vmem>> -> memref<1x16x2048xf32, #tpu.memory_space<vmem>>
    %dma_start3A_57 = tpu.memref_squeeze %dma_start3A_56 : memref<1x16x2048xf32, #tpu.memory_space<vmem>> -> memref<16x2048xf32, #tpu.memory_space<vmem>>
    %dma_start3A_58 = arith.constant 0 : i32
    %dma_start3A_59 = tpu.memref_slice %arg5[%dma_start3A_52, %dma_start3A_58] : memref<64x16xi32, #tpu.memory_space<vmem>> -> memref<1x16xi32, #tpu.memory_space<vmem>>
    %dma_start3A_60 = tpu.memref_squeeze %dma_start3A_59 : memref<1x16xi32, #tpu.memory_space<vmem>> -> memref<16xi32, #tpu.memory_space<vmem>>
    %dma_start3A_61 = arith.constant 0 : i32
    %dma_start3A_62 = arith.constant 0 : i32
    %dma_start3A_63 = tpu.memref_slice %arg2[%dma_start3A_61, %dma_start3A_62] : memref<32768x2048xf32, #tpu.memory_space<hbm>> -> memref<32768x2048xf32, #tpu.memory_space<hbm>>
    tpu.enqueue_indirect_dma source(%dma_start3A_63 : memref<32768x2048xf32, #tpu.memory_space<hbm>>) target(%dma_start3A_57 : memref<16x2048xf32, #tpu.memory_space<vmem>>) offsets(%dma_start3A_60 : memref<16xi32, #tpu.memory_space<vmem>>) semaphore(%arg8 : memref<!tpu.dma_semaphore, #tpu.memory_space<semaphore_mem>>)
    %dma_start3A_64 = arith.constant 2 : i32
    %dma_start3A_65 = arith.constant 2 : i32
    %dma_start3A_66 = arith.constant 0 : i32
    %dma_start3A_67 = arith.constant 0 : i32
    %dma_start3A_68 = tpu.memref_slice %arg6[%dma_start3A_65, %dma_start3A_66, %dma_start3A_67] : memref<3x16x2048xf32, #tpu.memory_space<vmem>> -> memref<1x16x2048xf32, #tpu.memory_space<vmem>>
    %dma_start3A_69 = tpu.memref_squeeze %dma_start3A_68 : memref<1x16x2048xf32, #tpu.memory_space<vmem>> -> memref<16x2048xf32, #tpu.memory_space<vmem>>
    %dma_start3A_70 = arith.constant 0 : i32
    %dma_start3A_71 = tpu.memref_slice %arg5[%dma_start3A_64, %dma_start3A_70] : memref<64x16xi32, #tpu.memory_space<vmem>> -> memref<1x16xi32, #tpu.memory_space<vmem>>
    %dma_start3A_72 = tpu.memref_squeeze %dma_start3A_71 : memref<1x16xi32, #tpu.memory_space<vmem>> -> memref<16xi32, #tpu.memory_space<vmem>>
    %dma_start3A_73 = arith.constant 0 : i32
    %dma_start3A_74 = arith.constant 0 : i32
    %dma_start3A_75 = tpu.memref_slice %arg2[%dma_start3A_73, %dma_start3A_74] : memref<32768x2048xf32, #tpu.memory_space<hbm>> -> memref<32768x2048xf32, #tpu.memory_space<hbm>>
    tpu.enqueue_indirect_dma source(%dma_start3A_75 : memref<32768x2048xf32, #tpu.memory_space<hbm>>) target(%dma_start3A_69 : memref<16x2048xf32, #tpu.memory_space<vmem>>) offsets(%dma_start3A_72 : memref<16xi32, #tpu.memory_space<vmem>>) semaphore(%arg9 : memref<!tpu.dma_semaphore, #tpu.memory_space<semaphore_mem>>)
    %scan3A_76 = arith.constant 0 : i32
    %scan3A_77 = arith.constant 0 : i32
    %scan3A_78 = arith.constant 21 : i32
    %scan3A_79 = arith.addi %scan3A_77, %scan3A_78 : i32
    %scan3A_80 = arith.constant 1 : i32
    %scan3A_81 = scf.for %scan3A_96 = %scan3A_77 to %scan3A_79 step %scan3A_80 iter_args(%scan3A_97 = %scan3A_76) -> (i32)  : i32 {
      %mul3A_98 = arith.constant 3 : i32
      %mul3A_99 = arith.muli %scan3A_96, %mul3A_98 : i32
      %add3A_100 = arith.constant 0 : i32
      %add3A_101 = arith.addi %mul3A_99, %add3A_100 : i32
      %dma_wait3A_102 = arith.constant 0 : i32
      %dma_wait3A_103 = arith.constant 0 : i32
      %dma_wait3A_104 = arith.constant 0 : i32
      %dma_wait3A_105 = tpu.memref_slice %arg6[%dma_wait3A_102, %dma_wait3A_103, %dma_wait3A_104] : memref<3x16x2048xf32, #tpu.memory_space<vmem>> -> memref<1x16x2048xf32, #tpu.memory_space<vmem>>
      %dma_wait3A_106 = tpu.memref_squeeze %dma_wait3A_105 : memref<1x16x2048xf32, #tpu.memory_space<vmem>> -> memref<16x2048xf32, #tpu.memory_space<vmem>>
      %dma_wait3A_107 = arith.constant 0 : i32
      %dma_wait3A_108 = tpu.memref_slice %arg5[%add3A_101, %dma_wait3A_107] : memref<64x16xi32, #tpu.memory_space<vmem>> -> memref<1x16xi32, #tpu.memory_space<vmem>>
      %dma_wait3A_109 = tpu.memref_squeeze %dma_wait3A_108 : memref<1x16xi32, #tpu.memory_space<vmem>> -> memref<16xi32, #tpu.memory_space<vmem>>
      %dma_wait3A_110 = arith.constant 0 : i32
      %dma_wait3A_111 = arith.constant 0 : i32
      %dma_wait3A_112 = tpu.memref_slice %arg2[%dma_wait3A_110, %dma_wait3A_111] : memref<32768x2048xf32, #tpu.memory_space<hbm>> -> memref<32768x2048xf32, #tpu.memory_space<hbm>>
      tpu.wait_indirect_dma semaphore(%arg7 : memref<!tpu.dma_semaphore, #tpu.memory_space<semaphore_mem>>) src(%dma_wait3A_112 : memref<32768x2048xf32, #tpu.memory_space<hbm>>) dst(%dma_wait3A_106 : memref<16x2048xf32, #tpu.memory_space<vmem>>)
      %add3A_113 = arith.constant 0 : i32
      %add3A_114 = arith.addi %mul3A_99, %add3A_113 : i32
      %mul3A_115 = arith.constant 16 : i32
      %mul3A_116 = arith.muli %add3A_114, %mul3A_115 : i32
      %add3A_117 = arith.addi %mul3A_40, %mul3A_116 : i32
      %run_scoped3A_118 = arith.constant 0 : i32
      "tpu.region"() ({
        %run_scoped3A_183 = tpu.sem_alloc : memref<!tpu.dma_semaphore, #tpu.memory_space<semaphore_mem>>
        %dma_start3A_184 = arith.constant 0 : i32
        %dma_start3A_185 = arith.constant 0 : i32
        %dma_start3A_186 = tpu.memref_slice %arg6[%run_scoped3A_118, %dma_start3A_184, %dma_start3A_185] : memref<3x16x2048xf32, #tpu.memory_space<vmem>> -> memref<1x16x2048xf32, #tpu.memory_space<vmem>>
        %dma_start3A_187 = tpu.memref_squeeze %dma_start3A_186 : memref<1x16x2048xf32, #tpu.memory_space<vmem>> -> memref<16x2048xf32, #tpu.memory_space<vmem>>
        %dma_start3A_188 = arith.constant 0 : i32
        %dma_start3A_189 = tpu.memref_slice %arg4[%add3A_117, %dma_start3A_188] : memref<32768x2048xf32, #tpu.memory_space<hbm>> -> memref<16x2048xf32, #tpu.memory_space<hbm>>
        %dma_start3A_190 = arith.constant 0 : i32
        %dma_start3A_191 = tpu.memref_slice %arg4[%add3A_117, %dma_start3A_190] : memref<32768x2048xf32, #tpu.memory_space<hbm>> -> memref<16x2048xf32, #tpu.memory_space<hbm>>
        %dma_start3A_192 = arith.constant 0 : i32
        %dma_start3A_193 = arith.constant 0 : i32
        %dma_start3A_194 = tpu.memref_slice %arg6[%run_scoped3A_118, %dma_start3A_192, %dma_start3A_193] : memref<3x16x2048xf32, #tpu.memory_space<vmem>> -> memref<1x16x2048xf32, #tpu.memory_space<vmem>>
        %dma_start3A_195 = tpu.memref_squeeze %dma_start3A_194 : memref<1x16x2048xf32, #tpu.memory_space<vmem>> -> memref<16x2048xf32, #tpu.memory_space<vmem>>
        tpu.enqueue_dma source(%dma_start3A_195 : memref<16x2048xf32, #tpu.memory_space<vmem>>) target(%dma_start3A_191 : memref<16x2048xf32, #tpu.memory_space<hbm>>) target_semaphore(%run_scoped3A_183 : memref<!tpu.dma_semaphore, #tpu.memory_space<semaphore_mem>>)
        %dma_wait3A_196 = arith.constant 0 : i32
        %dma_wait3A_197 = arith.constant 0 : i32
        %dma_wait3A_198 = tpu.memref_slice %arg6[%run_scoped3A_118, %dma_wait3A_196, %dma_wait3A_197] : memref<3x16x2048xf32, #tpu.memory_space<vmem>> -> memref<1x16x2048xf32, #tpu.memory_space<vmem>>
        %dma_wait3A_199 = tpu.memref_squeeze %dma_wait3A_198 : memref<1x16x2048xf32, #tpu.memory_space<vmem>> -> memref<16x2048xf32, #tpu.memory_space<vmem>>
        %dma_wait3A_200 = arith.constant 0 : i32
        %dma_wait3A_201 = tpu.memref_slice %arg4[%add3A_117, %dma_wait3A_200] : memref<32768x2048xf32, #tpu.memory_space<hbm>> -> memref<16x2048xf32, #tpu.memory_space<hbm>>
        %dma_wait3A_202 = arith.constant 0 : i32
        %dma_wait3A_203 = tpu.memref_slice %arg4[%add3A_117, %dma_wait3A_202] : memref<32768x2048xf32, #tpu.memory_space<hbm>> -> memref<16x2048xf32, #tpu.memory_space<hbm>>
        %dma_wait3A_204 = arith.constant 0 : i32
        %dma_wait3A_205 = arith.constant 0 : i32
        %dma_wait3A_206 = tpu.memref_slice %arg6[%run_scoped3A_118, %dma_wait3A_204, %dma_wait3A_205] : memref<3x16x2048xf32, #tpu.memory_space<vmem>> -> memref<1x16x2048xf32, #tpu.memory_space<vmem>>
        %dma_wait3A_207 = tpu.memref_squeeze %dma_wait3A_206 : memref<1x16x2048xf32, #tpu.memory_space<vmem>> -> memref<16x2048xf32, #tpu.memory_space<vmem>>
        tpu.wait_dma2 semaphore(%run_scoped3A_183 : memref<!tpu.dma_semaphore, #tpu.memory_space<semaphore_mem>>) src(%dma_wait3A_207 : memref<16x2048xf32, #tpu.memory_space<vmem>>) dst(%dma_wait3A_203 : memref<16x2048xf32, #tpu.memory_space<hbm>>)
        tpu.yield
      }) : () -> ()
      %add3A_119 = arith.constant 3 : i32
      %add3A_120 = arith.addi %mul3A_99, %add3A_119 : i32
      %add3A_121 = arith.constant 0 : i32
      %add3A_122 = arith.addi %add3A_120, %add3A_121 : i32
      %lt3A_123 = arith.constant 64 : i32
      %lt3A_124 = arith.cmpi slt, %add3A_122, %lt3A_123 : i32
      %convert_element_type3A = arith.extui %lt3A_124 : i1 to i32
      %cond3A = arith.constant 0 : i32
      %cond3A_125 = arith.cmpi ne, %convert_element_type3A, %cond3A : i32
      scf.if %cond3A_125 {
        %add3A_183 = arith.constant 3 : i32
        %add3A_184 = arith.addi %mul3A_99, %add3A_183 : i32
        %add3A_185 = arith.constant 0 : i32
        %add3A_186 = arith.addi %add3A_184, %add3A_185 : i32
        %dma_start3A_187 = arith.constant 0 : i32
        %dma_start3A_188 = arith.constant 0 : i32
        %dma_start3A_189 = arith.constant 0 : i32
        %dma_start3A_190 = tpu.memref_slice %arg6[%dma_start3A_187, %dma_start3A_188, %dma_start3A_189] : memref<3x16x2048xf32, #tpu.memory_space<vmem>> -> memref<1x16x2048xf32, #tpu.memory_space<vmem>>
        %dma_start3A_191 = tpu.memref_squeeze %dma_start3A_190 : memref<1x16x2048xf32, #tpu.memory_space<vmem>> -> memref<16x2048xf32, #tpu.memory_space<vmem>>
        %dma_start3A_192 = arith.constant 0 : i32
        %dma_start3A_193 = tpu.memref_slice %arg5[%add3A_186, %dma_start3A_192] : memref<64x16xi32, #tpu.memory_space<vmem>> -> memref<1x16xi32, #tpu.memory_space<vmem>>
        %dma_start3A_194 = tpu.memref_squeeze %dma_start3A_193 : memref<1x16xi32, #tpu.memory_space<vmem>> -> memref<16xi32, #tpu.memory_space<vmem>>
        %dma_start3A_195 = arith.constant 0 : i32
        %dma_start3A_196 = arith.constant 0 : i32
        %dma_start3A_197 = tpu.memref_slice %arg2[%dma_start3A_195, %dma_start3A_196] : memref<32768x2048xf32, #tpu.memory_space<hbm>> -> memref<32768x2048xf32, #tpu.memory_space<hbm>>
        tpu.enqueue_indirect_dma source(%dma_start3A_197 : memref<32768x2048xf32, #tpu.memory_space<hbm>>) target(%dma_start3A_191 : memref<16x2048xf32, #tpu.memory_space<vmem>>) offsets(%dma_start3A_194 : memref<16xi32, #tpu.memory_space<vmem>>) semaphore(%arg7 : memref<!tpu.dma_semaphore, #tpu.memory_space<semaphore_mem>>)
      } else {
      }
      %add3A_126 = arith.constant 1 : i32
      %add3A_127 = arith.addi %mul3A_99, %add3A_126 : i32
      %dma_wait3A_128 = arith.constant 1 : i32
      %dma_wait3A_129 = arith.constant 0 : i32
      %dma_wait3A_130 = arith.constant 0 : i32
      %dma_wait3A_131 = tpu.memref_slice %arg6[%dma_wait3A_128, %dma_wait3A_129, %dma_wait3A_130] : memref<3x16x2048xf32, #tpu.memory_space<vmem>> -> memref<1x16x2048xf32, #tpu.memory_space<vmem>>
      %dma_wait3A_132 = tpu.memref_squeeze %dma_wait3A_131 : memref<1x16x2048xf32, #tpu.memory_space<vmem>> -> memref<16x2048xf32, #tpu.memory_space<vmem>>
      %dma_wait3A_133 = arith.constant 0 : i32
      %dma_wait3A_134 = tpu.memref_slice %arg5[%add3A_127, %dma_wait3A_133] : memref<64x16xi32, #tpu.memory_space<vmem>> -> memref<1x16xi32, #tpu.memory_space<vmem>>
      %dma_wait3A_135 = tpu.memref_squeeze %dma_wait3A_134 : memref<1x16xi32, #tpu.memory_space<vmem>> -> memref<16xi32, #tpu.memory_space<vmem>>
      %dma_wait3A_136 = arith.constant 0 : i32
      %dma_wait3A_137 = arith.constant 0 : i32
      %dma_wait3A_138 = tpu.memref_slice %arg2[%dma_wait3A_136, %dma_wait3A_137] : memref<32768x2048xf32, #tpu.memory_space<hbm>> -> memref<32768x2048xf32, #tpu.memory_space<hbm>>
      tpu.wait_indirect_dma semaphore(%arg8 : memref<!tpu.dma_semaphore, #tpu.memory_space<semaphore_mem>>) src(%dma_wait3A_138 : memref<32768x2048xf32, #tpu.memory_space<hbm>>) dst(%dma_wait3A_132 : memref<16x2048xf32, #tpu.memory_space<vmem>>)
      %add3A_139 = arith.constant 1 : i32
      %add3A_140 = arith.addi %mul3A_99, %add3A_139 : i32
      %mul3A_141 = arith.constant 16 : i32
      %mul3A_142 = arith.muli %add3A_140, %mul3A_141 : i32
      %add3A_143 = arith.addi %mul3A_40, %mul3A_142 : i32
      %run_scoped3A_144 = arith.constant 1 : i32
      "tpu.region"() ({
        %run_scoped3A_183 = tpu.sem_alloc : memref<!tpu.dma_semaphore, #tpu.memory_space<semaphore_mem>>
        %dma_start3A_184 = arith.constant 0 : i32
        %dma_start3A_185 = arith.constant 0 : i32
        %dma_start3A_186 = tpu.memref_slice %arg6[%run_scoped3A_144, %dma_start3A_184, %dma_start3A_185] : memref<3x16x2048xf32, #tpu.memory_space<vmem>> -> memref<1x16x2048xf32, #tpu.memory_space<vmem>>
        %dma_start3A_187 = tpu.memref_squeeze %dma_start3A_186 : memref<1x16x2048xf32, #tpu.memory_space<vmem>> -> memref<16x2048xf32, #tpu.memory_space<vmem>>
        %dma_start3A_188 = arith.constant 0 : i32
        %dma_start3A_189 = tpu.memref_slice %arg4[%add3A_143, %dma_start3A_188] : memref<32768x2048xf32, #tpu.memory_space<hbm>> -> memref<16x2048xf32, #tpu.memory_space<hbm>>
        %dma_start3A_190 = arith.constant 0 : i32
        %dma_start3A_191 = tpu.memref_slice %arg4[%add3A_143, %dma_start3A_190] : memref<32768x2048xf32, #tpu.memory_space<hbm>> -> memref<16x2048xf32, #tpu.memory_space<hbm>>
        %dma_start3A_192 = arith.constant 0 : i32
        %dma_start3A_193 = arith.constant 0 : i32
        %dma_start3A_194 = tpu.memref_slice %arg6[%run_scoped3A_144, %dma_start3A_192, %dma_start3A_193] : memref<3x16x2048xf32, #tpu.memory_space<vmem>> -> memref<1x16x2048xf32, #tpu.memory_space<vmem>>
        %dma_start3A_195 = tpu.memref_squeeze %dma_start3A_194 : memref<1x16x2048xf32, #tpu.memory_space<vmem>> -> memref<16x2048xf32, #tpu.memory_space<vmem>>
        tpu.enqueue_dma source(%dma_start3A_195 : memref<16x2048xf32, #tpu.memory_space<vmem>>) target(%dma_start3A_191 : memref<16x2048xf32, #tpu.memory_space<hbm>>) target_semaphore(%run_scoped3A_183 : memref<!tpu.dma_semaphore, #tpu.memory_space<semaphore_mem>>)
        %dma_wait3A_196 = arith.constant 0 : i32
        %dma_wait3A_197 = arith.constant 0 : i32
        %dma_wait3A_198 = tpu.memref_slice %arg6[%run_scoped3A_144, %dma_wait3A_196, %dma_wait3A_197] : memref<3x16x2048xf32, #tpu.memory_space<vmem>> -> memref<1x16x2048xf32, #tpu.memory_space<vmem>>
        %dma_wait3A_199 = tpu.memref_squeeze %dma_wait3A_198 : memref<1x16x2048xf32, #tpu.memory_space<vmem>> -> memref<16x2048xf32, #tpu.memory_space<vmem>>
        %dma_wait3A_200 = arith.constant 0 : i32
        %dma_wait3A_201 = tpu.memref_slice %arg4[%add3A_143, %dma_wait3A_200] : memref<32768x2048xf32, #tpu.memory_space<hbm>> -> memref<16x2048xf32, #tpu.memory_space<hbm>>
        %dma_wait3A_202 = arith.constant 0 : i32
        %dma_wait3A_203 = tpu.memref_slice %arg4[%add3A_143, %dma_wait3A_202] : memref<32768x2048xf32, #tpu.memory_space<hbm>> -> memref<16x2048xf32, #tpu.memory_space<hbm>>
        %dma_wait3A_204 = arith.constant 0 : i32
        %dma_wait3A_205 = arith.constant 0 : i32
        %dma_wait3A_206 = tpu.memref_slice %arg6[%run_scoped3A_144, %dma_wait3A_204, %dma_wait3A_205] : memref<3x16x2048xf32, #tpu.memory_space<vmem>> -> memref<1x16x2048xf32, #tpu.memory_space<vmem>>
        %dma_wait3A_207 = tpu.memref_squeeze %dma_wait3A_206 : memref<1x16x2048xf32, #tpu.memory_space<vmem>> -> memref<16x2048xf32, #tpu.memory_space<vmem>>
        tpu.wait_dma2 semaphore(%run_scoped3A_183 : memref<!tpu.dma_semaphore, #tpu.memory_space<semaphore_mem>>) src(%dma_wait3A_207 : memref<16x2048xf32, #tpu.memory_space<vmem>>) dst(%dma_wait3A_203 : memref<16x2048xf32, #tpu.memory_space<hbm>>)
        tpu.yield
      }) : () -> ()
      %add3A_145 = arith.constant 3 : i32
      %add3A_146 = arith.addi %mul3A_99, %add3A_145 : i32
      %add3A_147 = arith.constant 1 : i32
      %add3A_148 = arith.addi %add3A_146, %add3A_147 : i32
      %lt3A_149 = arith.constant 64 : i32
      %lt3A_150 = arith.cmpi slt, %add3A_148, %lt3A_149 : i32
      %convert_element_type3A_151 = arith.extui %lt3A_150 : i1 to i32
      %cond3A_152 = arith.constant 0 : i32
      %cond3A_153 = arith.cmpi ne, %convert_element_type3A_151, %cond3A_152 : i32
      scf.if %cond3A_153 {
        %add3A_183 = arith.constant 3 : i32
        %add3A_184 = arith.addi %mul3A_99, %add3A_183 : i32
        %add3A_185 = arith.constant 1 : i32
        %add3A_186 = arith.addi %add3A_184, %add3A_185 : i32
        %dma_start3A_187 = arith.constant 1 : i32
        %dma_start3A_188 = arith.constant 0 : i32
        %dma_start3A_189 = arith.constant 0 : i32
        %dma_start3A_190 = tpu.memref_slice %arg6[%dma_start3A_187, %dma_start3A_188, %dma_start3A_189] : memref<3x16x2048xf32, #tpu.memory_space<vmem>> -> memref<1x16x2048xf32, #tpu.memory_space<vmem>>
        %dma_start3A_191 = tpu.memref_squeeze %dma_start3A_190 : memref<1x16x2048xf32, #tpu.memory_space<vmem>> -> memref<16x2048xf32, #tpu.memory_space<vmem>>
        %dma_start3A_192 = arith.constant 0 : i32
        %dma_start3A_193 = tpu.memref_slice %arg5[%add3A_186, %dma_start3A_192] : memref<64x16xi32, #tpu.memory_space<vmem>> -> memref<1x16xi32, #tpu.memory_space<vmem>>
        %dma_start3A_194 = tpu.memref_squeeze %dma_start3A_193 : memref<1x16xi32, #tpu.memory_space<vmem>> -> memref<16xi32, #tpu.memory_space<vmem>>
        %dma_start3A_195 = arith.constant 0 : i32
        %dma_start3A_196 = arith.constant 0 : i32
        %dma_start3A_197 = tpu.memref_slice %arg2[%dma_start3A_195, %dma_start3A_196] : memref<32768x2048xf32, #tpu.memory_space<hbm>> -> memref<32768x2048xf32, #tpu.memory_space<hbm>>
        tpu.enqueue_indirect_dma source(%dma_start3A_197 : memref<32768x2048xf32, #tpu.memory_space<hbm>>) target(%dma_start3A_191 : memref<16x2048xf32, #tpu.memory_space<vmem>>) offsets(%dma_start3A_194 : memref<16xi32, #tpu.memory_space<vmem>>) semaphore(%arg8 : memref<!tpu.dma_semaphore, #tpu.memory_space<semaphore_mem>>)
      } else {
      }
      %add3A_154 = arith.constant 2 : i32
      %add3A_155 = arith.addi %mul3A_99, %add3A_154 : i32
      %dma_wait3A_156 = arith.constant 2 : i32
      %dma_wait3A_157 = arith.constant 0 : i32
      %dma_wait3A_158 = arith.constant 0 : i32
      %dma_wait3A_159 = tpu.memref_slice %arg6[%dma_wait3A_156, %dma_wait3A_157, %dma_wait3A_158] : memref<3x16x2048xf32, #tpu.memory_space<vmem>> -> memref<1x16x2048xf32, #tpu.memory_space<vmem>>
      %dma_wait3A_160 = tpu.memref_squeeze %dma_wait3A_159 : memref<1x16x2048xf32, #tpu.memory_space<vmem>> -> memref<16x2048xf32, #tpu.memory_space<vmem>>
      %dma_wait3A_161 = arith.constant 0 : i32
      %dma_wait3A_162 = tpu.memref_slice %arg5[%add3A_155, %dma_wait3A_161] : memref<64x16xi32, #tpu.memory_space<vmem>> -> memref<1x16xi32, #tpu.memory_space<vmem>>
      %dma_wait3A_163 = tpu.memref_squeeze %dma_wait3A_162 : memref<1x16xi32, #tpu.memory_space<vmem>> -> memref<16xi32, #tpu.memory_space<vmem>>
      %dma_wait3A_164 = arith.constant 0 : i32
      %dma_wait3A_165 = arith.constant 0 : i32
      %dma_wait3A_166 = tpu.memref_slice %arg2[%dma_wait3A_164, %dma_wait3A_165] : memref<32768x2048xf32, #tpu.memory_space<hbm>> -> memref<32768x2048xf32, #tpu.memory_space<hbm>>
      tpu.wait_indirect_dma semaphore(%arg9 : memref<!tpu.dma_semaphore, #tpu.memory_space<semaphore_mem>>) src(%dma_wait3A_166 : memref<32768x2048xf32, #tpu.memory_space<hbm>>) dst(%dma_wait3A_160 : memref<16x2048xf32, #tpu.memory_space<vmem>>)
      %add3A_167 = arith.constant 2 : i32
      %add3A_168 = arith.addi %mul3A_99, %add3A_167 : i32
      %mul3A_169 = arith.constant 16 : i32
      %mul3A_170 = arith.muli %add3A_168, %mul3A_169 : i32
      %add3A_171 = arith.addi %mul3A_40, %mul3A_170 : i32
      %run_scoped3A_172 = arith.constant 2 : i32
      "tpu.region"() ({
        %run_scoped3A_183 = tpu.sem_alloc : memref<!tpu.dma_semaphore, #tpu.memory_space<semaphore_mem>>
        %dma_start3A_184 = arith.constant 0 : i32
        %dma_start3A_185 = arith.constant 0 : i32
        %dma_start3A_186 = tpu.memref_slice %arg6[%run_scoped3A_172, %dma_start3A_184, %dma_start3A_185] : memref<3x16x2048xf32, #tpu.memory_space<vmem>> -> memref<1x16x2048xf32, #tpu.memory_space<vmem>>
        %dma_start3A_187 = tpu.memref_squeeze %dma_start3A_186 : memref<1x16x2048xf32, #tpu.memory_space<vmem>> -> memref<16x2048xf32, #tpu.memory_space<vmem>>
        %dma_start3A_188 = arith.constant 0 : i32
        %dma_start3A_189 = tpu.memref_slice %arg4[%add3A_171, %dma_start3A_188] : memref<32768x2048xf32, #tpu.memory_space<hbm>> -> memref<16x2048xf32, #tpu.memory_space<hbm>>
        %dma_start3A_190 = arith.constant 0 : i32
        %dma_start3A_191 = tpu.memref_slice %arg4[%add3A_171, %dma_start3A_190] : memref<32768x2048xf32, #tpu.memory_space<hbm>> -> memref<16x2048xf32, #tpu.memory_space<hbm>>
        %dma_start3A_192 = arith.constant 0 : i32
        %dma_start3A_193 = arith.constant 0 : i32
        %dma_start3A_194 = tpu.memref_slice %arg6[%run_scoped3A_172, %dma_start3A_192, %dma_start3A_193] : memref<3x16x2048xf32, #tpu.memory_space<vmem>> -> memref<1x16x2048xf32, #tpu.memory_space<vmem>>
        %dma_start3A_195 = tpu.memref_squeeze %dma_start3A_194 : memref<1x16x2048xf32, #tpu.memory_space<vmem>> -> memref<16x2048xf32, #tpu.memory_space<vmem>>
        tpu.enqueue_dma source(%dma_start3A_195 : memref<16x2048xf32, #tpu.memory_space<vmem>>) target(%dma_start3A_191 : memref<16x2048xf32, #tpu.memory_space<hbm>>) target_semaphore(%run_scoped3A_183 : memref<!tpu.dma_semaphore, #tpu.memory_space<semaphore_mem>>)
        %dma_wait3A_196 = arith.constant 0 : i32
        %dma_wait3A_197 = arith.constant 0 : i32
        %dma_wait3A_198 = tpu.memref_slice %arg6[%run_scoped3A_172, %dma_wait3A_196, %dma_wait3A_197] : memref<3x16x2048xf32, #tpu.memory_space<vmem>> -> memref<1x16x2048xf32, #tpu.memory_space<vmem>>
        %dma_wait3A_199 = tpu.memref_squeeze %dma_wait3A_198 : memref<1x16x2048xf32, #tpu.memory_space<vmem>> -> memref<16x2048xf32, #tpu.memory_space<vmem>>
        %dma_wait3A_200 = arith.constant 0 : i32
        %dma_wait3A_201 = tpu.memref_slice %arg4[%add3A_171, %dma_wait3A_200] : memref<32768x2048xf32, #tpu.memory_space<hbm>> -> memref<16x2048xf32, #tpu.memory_space<hbm>>
        %dma_wait3A_202 = arith.constant 0 : i32
        %dma_wait3A_203 = tpu.memref_slice %arg4[%add3A_171, %dma_wait3A_202] : memref<32768x2048xf32, #tpu.memory_space<hbm>> -> memref<16x2048xf32, #tpu.memory_space<hbm>>
        %dma_wait3A_204 = arith.constant 0 : i32
        %dma_wait3A_205 = arith.constant 0 : i32
        %dma_wait3A_206 = tpu.memref_slice %arg6[%run_scoped3A_172, %dma_wait3A_204, %dma_wait3A_205] : memref<3x16x2048xf32, #tpu.memory_space<vmem>> -> memref<1x16x2048xf32, #tpu.memory_space<vmem>>
        %dma_wait3A_207 = tpu.memref_squeeze %dma_wait3A_206 : memref<1x16x2048xf32, #tpu.memory_space<vmem>> -> memref<16x2048xf32, #tpu.memory_space<vmem>>
        tpu.wait_dma2 semaphore(%run_scoped3A_183 : memref<!tpu.dma_semaphore, #tpu.memory_space<semaphore_mem>>) src(%dma_wait3A_207 : memref<16x2048xf32, #tpu.memory_space<vmem>>) dst(%dma_wait3A_203 : memref<16x2048xf32, #tpu.memory_space<hbm>>)
        tpu.yield
      }) : () -> ()
      %add3A_173 = arith.constant 3 : i32
      %add3A_174 = arith.addi %mul3A_99, %add3A_173 : i32
      %add3A_175 = arith.constant 2 : i32
      %add3A_176 = arith.addi %add3A_174, %add3A_175 : i32
      %lt3A_177 = arith.constant 64 : i32
      %lt3A_178 = arith.cmpi slt, %add3A_176, %lt3A_177 : i32
      %convert_element_type3A_179 = arith.extui %lt3A_178 : i1 to i32
      %cond3A_180 = arith.constant 0 : i32
      %cond3A_181 = arith.cmpi ne, %convert_element_type3A_179, %cond3A_180 : i32
      scf.if %cond3A_181 {
        %add3A_183 = arith.constant 3 : i32
        %add3A_184 = arith.addi %mul3A_99, %add3A_183 : i32
        %add3A_185 = arith.constant 2 : i32
        %add3A_186 = arith.addi %add3A_184, %add3A_185 : i32
        %dma_start3A_187 = arith.constant 2 : i32
        %dma_start3A_188 = arith.constant 0 : i32
        %dma_start3A_189 = arith.constant 0 : i32
        %dma_start3A_190 = tpu.memref_slice %arg6[%dma_start3A_187, %dma_start3A_188, %dma_start3A_189] : memref<3x16x2048xf32, #tpu.memory_space<vmem>> -> memref<1x16x2048xf32, #tpu.memory_space<vmem>>
        %dma_start3A_191 = tpu.memref_squeeze %dma_start3A_190 : memref<1x16x2048xf32, #tpu.memory_space<vmem>> -> memref<16x2048xf32, #tpu.memory_space<vmem>>
        %dma_start3A_192 = arith.constant 0 : i32
        %dma_start3A_193 = tpu.memref_slice %arg5[%add3A_186, %dma_start3A_192] : memref<64x16xi32, #tpu.memory_space<vmem>> -> memref<1x16xi32, #tpu.memory_space<vmem>>
        %dma_start3A_194 = tpu.memref_squeeze %dma_start3A_193 : memref<1x16xi32, #tpu.memory_space<vmem>> -> memref<16xi32, #tpu.memory_space<vmem>>
        %dma_start3A_195 = arith.constant 0 : i32
        %dma_start3A_196 = arith.constant 0 : i32
        %dma_start3A_197 = tpu.memref_slice %arg2[%dma_start3A_195, %dma_start3A_196] : memref<32768x2048xf32, #tpu.memory_space<hbm>> -> memref<32768x2048xf32, #tpu.memory_space<hbm>>
        tpu.enqueue_indirect_dma source(%dma_start3A_197 : memref<32768x2048xf32, #tpu.memory_space<hbm>>) target(%dma_start3A_191 : memref<16x2048xf32, #tpu.memory_space<vmem>>) offsets(%dma_start3A_194 : memref<16xi32, #tpu.memory_space<vmem>>) semaphore(%arg9 : memref<!tpu.dma_semaphore, #tpu.memory_space<semaphore_mem>>)
      } else {
      }
      %scan3A_182 = arith.constant 0 : i32
      scf.yield %scan3A_182 : i32
    }
    %scan3A_82 = arith.constant 21 : i32
    %dma_wait3A = arith.constant 63 : i32
    %dma_wait3A_83 = arith.constant 0 : i32
    %dma_wait3A_84 = arith.constant 0 : i32
    %dma_wait3A_85 = arith.constant 0 : i32
    %dma_wait3A_86 = tpu.memref_slice %arg6[%dma_wait3A_83, %dma_wait3A_84, %dma_wait3A_85] : memref<3x16x2048xf32, #tpu.memory_space<vmem>> -> memref<1x16x2048xf32, #tpu.memory_space<vmem>>
    %dma_wait3A_87 = tpu.memref_squeeze %dma_wait3A_86 : memref<1x16x2048xf32, #tpu.memory_space<vmem>> -> memref<16x2048xf32, #tpu.memory_space<vmem>>
    %dma_wait3A_88 = arith.constant 0 : i32
    %dma_wait3A_89 = tpu.memref_slice %arg5[%dma_wait3A, %dma_wait3A_88] : memref<64x16xi32, #tpu.memory_space<vmem>> -> memref<1x16xi32, #tpu.memory_space<vmem>>
    %dma_wait3A_90 = tpu.memref_squeeze %dma_wait3A_89 : memref<1x16xi32, #tpu.memory_space<vmem>> -> memref<16xi32, #tpu.memory_space<vmem>>
    %dma_wait3A_91 = arith.constant 0 : i32
    %dma_wait3A_92 = arith.constant 0 : i32
    %dma_wait3A_93 = tpu.memref_slice %arg2[%dma_wait3A_91, %dma_wait3A_92] : memref<32768x2048xf32, #tpu.memory_space<hbm>> -> memref<32768x2048xf32, #tpu.memory_space<hbm>>
    tpu.wait_indirect_dma semaphore(%arg7 : memref<!tpu.dma_semaphore, #tpu.memory_space<semaphore_mem>>) src(%dma_wait3A_93 : memref<32768x2048xf32, #tpu.memory_space<hbm>>) dst(%dma_wait3A_87 : memref<16x2048xf32, #tpu.memory_space<vmem>>)
    %add3A_94 = arith.constant 1008 : i32
    %add3A_95 = arith.addi %mul3A_40, %add3A_94 : i32
    %run_scoped3A = arith.constant 0 : i32
    "tpu.region"() ({
      %run_scoped3A_96 = tpu.sem_alloc : memref<!tpu.dma_semaphore, #tpu.memory_space<semaphore_mem>>
      %dma_start3A_97 = arith.constant 0 : i32
      %dma_start3A_98 = arith.constant 0 : i32
      %dma_start3A_99 = tpu.memref_slice %arg6[%run_scoped3A, %dma_start3A_97, %dma_start3A_98] : memref<3x16x2048xf32, #tpu.memory_space<vmem>> -> memref<1x16x2048xf32, #tpu.memory_space<vmem>>
      %dma_start3A_100 = tpu.memref_squeeze %dma_start3A_99 : memref<1x16x2048xf32, #tpu.memory_space<vmem>> -> memref<16x2048xf32, #tpu.memory_space<vmem>>
      %dma_start3A_101 = arith.constant 0 : i32
      %dma_start3A_102 = tpu.memref_slice %arg4[%add3A_95, %dma_start3A_101] : memref<32768x2048xf32, #tpu.memory_space<hbm>> -> memref<16x2048xf32, #tpu.memory_space<hbm>>
      %dma_start3A_103 = arith.constant 0 : i32
      %dma_start3A_104 = tpu.memref_slice %arg4[%add3A_95, %dma_start3A_103] : memref<32768x2048xf32, #tpu.memory_space<hbm>> -> memref<16x2048xf32, #tpu.memory_space<hbm>>
      %dma_start3A_105 = arith.constant 0 : i32
      %dma_start3A_106 = arith.constant 0 : i32
      %dma_start3A_107 = tpu.memref_slice %arg6[%run_scoped3A, %dma_start3A_105, %dma_start3A_106] : memref<3x16x2048xf32, #tpu.memory_space<vmem>> -> memref<1x16x2048xf32, #tpu.memory_space<vmem>>
      %dma_start3A_108 = tpu.memref_squeeze %dma_start3A_107 : memref<1x16x2048xf32, #tpu.memory_space<vmem>> -> memref<16x2048xf32, #tpu.memory_space<vmem>>
      tpu.enqueue_dma source(%dma_start3A_108 : memref<16x2048xf32, #tpu.memory_space<vmem>>) target(%dma_start3A_104 : memref<16x2048xf32, #tpu.memory_space<hbm>>) target_semaphore(%run_scoped3A_96 : memref<!tpu.dma_semaphore, #tpu.memory_space<semaphore_mem>>)
      %dma_wait3A_109 = arith.constant 0 : i32
      %dma_wait3A_110 = arith.constant 0 : i32
      %dma_wait3A_111 = tpu.memref_slice %arg6[%run_scoped3A, %dma_wait3A_109, %dma_wait3A_110] : memref<3x16x2048xf32, #tpu.memory_space<vmem>> -> memref<1x16x2048xf32, #tpu.memory_space<vmem>>
      %dma_wait3A_112 = tpu.memref_squeeze %dma_wait3A_111 : memref<1x16x2048xf32, #tpu.memory_space<vmem>> -> memref<16x2048xf32, #tpu.memory_space<vmem>>
      %dma_wait3A_113 = arith.constant 0 : i32
      %dma_wait3A_114 = tpu.memref_slice %arg4[%add3A_95, %dma_wait3A_113] : memref<32768x2048xf32, #tpu.memory_space<hbm>> -> memref<16x2048xf32, #tpu.memory_space<hbm>>
      %dma_wait3A_115 = arith.constant 0 : i32
      %dma_wait3A_116 = tpu.memref_slice %arg4[%add3A_95, %dma_wait3A_115] : memref<32768x2048xf32, #tpu.memory_space<hbm>> -> memref<16x2048xf32, #tpu.memory_space<hbm>>
      %dma_wait3A_117 = arith.constant 0 : i32
      %dma_wait3A_118 = arith.constant 0 : i32
      %dma_wait3A_119 = tpu.memref_slice %arg6[%run_scoped3A, %dma_wait3A_117, %dma_wait3A_118] : memref<3x16x2048xf32, #tpu.memory_space<vmem>> -> memref<1x16x2048xf32, #tpu.memory_space<vmem>>
      %dma_wait3A_120 = tpu.memref_squeeze %dma_wait3A_119 : memref<1x16x2048xf32, #tpu.memory_space<vmem>> -> memref<16x2048xf32, #tpu.memory_space<vmem>>
      tpu.wait_dma2 semaphore(%run_scoped3A_96 : memref<!tpu.dma_semaphore, #tpu.memory_space<semaphore_mem>>) src(%dma_wait3A_120 : memref<16x2048xf32, #tpu.memory_space<vmem>>) dst(%dma_wait3A_116 : memref<16x2048xf32, #tpu.memory_space<hbm>>)
      tpu.yield
    }) : () -> ()
    return
  }
}

</mosaic_0001>

<sc_bundles>
// kernel: kernel.3.cloned.1.call-start
scs
__scs_entry_jumppad:
0x0: {  	(pc) =	sbr.rel $0x88, $3  }
0x1: {  	(tag) =	ssettag $0x0;
	lr =	simm.s32 $0x1  }
0x2: {  	[smem:$0x3F9F] =	sst lr;
	_ =	strace $0xD0000000  }
0x3: {  	_ = 	snop  }
0x4: {  	_ = 	snop  }
0x5: {  	_ = 	snop  }
0x6: {  	_ = 	snop  }
0x7: {  	_ = 	snop  }
__scs_overlays_trampoline_lowered:
0x8: {  	[smem:$0x3FAE] =	sst s0  }
0x9: {  	[smem:$0x3FAF] =	sst s1  }
0xa: {  	[smem:$0x3FB0] =	sst s2  }
0xb: {  	[smem:$0x3FB1] =	sst s3  }
0xc: {  	[smem:$0x3FB2] =	sst s4  }
0xd: {  	[smem:$0x3FB3] =	sst s5  }
0xe: {  	[smem:$0x3FB4] =	sst s6  }
0xf: {  	[smem:$0x3FB5] =	sst s7  }
0x10: {  	[smem:$0x3FB6] =	sst s8  }
0x11: {  	[smem:$0x3FB7] =	sst s9;
	s0 =	simm.s32 @!p0 $0x0  }
0x12: {  	s1 =	sld [smem:$0x3F9D];
	s0 =	simm.s32 @p0 $0x1  }
0x13: {  	[smem:$0x3FB8] =	sst s0;
	s0 =	simm.s32 @!p1 $0x0  }
0x14: {  	s2 =	sld [smem:$0x3F9C];
	s0 =	simm.s32 @p1 $0x1  }
0x15: {  	[smem:$0x3FB9] =	sst s0;
	s0 =	simm.s32 @!p2 $0x0  }
0x16: {  	s3 =	sld [smem:$0x3FDB];
	s0 =	simm.s32 @p2 $0x1  }
0x17: {  	s4 =	simm.s32 $0x1BF5;
	[smem:$0x3FBB] =	sst s0  }
0x18: {  	s0 =	sld [smem:$0x3F9E];
	_ =	swait.ge [sflag:s4], $0x0  }
0x19: {  	s7 =	sld [smem:$0x3F9F]  }
0x1a: {  	s8 =	sadd.s32 $0xFFFFE003, lr  }
0x1b: {  	s9 =	sadd.s32 $0xFFFFFEF7, lr;
	s5 =	simm.s32 $0xFFFFFFFF;
	p2 =	slt.u32 s8, $0xFFFFF086  }
0x1c: {  	p1 =	slt.u32 s9, $0xF7A;
	s5 =	simm.s32 @!p2 $0x0  }
0x1d: {  	s5 =	simm.s32 @p1 $0x1;
	p0 =	seq.s32 s7, s2  }
0x1e: {  	s7 =	smul.u32 @!p0 $0xF7A, s2;
	p2 =	seq.s32 @!p0 s5, $0x0  }
0x1f: {  	s9 =	smul.u32 $0xF7A, s1;
	s8 =	simm.s32 @!p0 $0x1BF5;
	p2 =	por !p2, p0  }
0x20: {  	[sflag:s8] =	ssyncset.s32 @!p0 $0xFFFFF086;
	s6 =	sadd.s32 @!p0 s3, s7;
	s7 =	simm.s32 @!p0 $0x108  }
0x21: {  	s3 =	sadd.s32 s3, s9;
	s6 =	sadd.s32 @!p0 $0x88, s6;
	s7 =	simm.s32 @p2 $0x1082  }
0x22: {  	[simem:s7], [sflag:s8] =	dma.local @!p0 [hbm:s6], $0xF7A  }
0x23: {  	s9 =	sor.u32 $0xD0000000, s2;
	s6 =	simm.s32 $0x108;
	_ =	swait.ge @!p0 [sflag:s8], $0x0  }
0x24: {  	s3 =	sadd.s32 $0x88, s3;
	s6 =	simm.s32 @!p1 $0x1082;
	[sflag:s4] =	ssyncset.s32 $0xFFFFF086  }
0x25: {  	[simem:s6], [sflag:s4] =	dma.local [hbm:s3], $0xF7A  }
0x26: {  	[smem:$0x3F9F] =	sst s1;
	(tag) =	ssettag s2;
	_ =	strace s9  }
0x27: {  	s1 =	sld [smem:$0x3FAF]  }
0x28: {  	s2 =	sld [smem:$0x3FB0]  }
0x29: {  	s4 =	sld [smem:$0x3FB2]  }
0x2a: {  	p0 =	seq.s32 s5, $0x0;
	s5 =	sld [smem:$0x3FB3]  }
0x2b: {  	s6 =	sld [smem:$0x3FB4]  }
0x2c: {  	s7 =	sld [smem:$0x3FB5]  }
0x2d: {  	s3 =	simm.s32 $0x108;
	s8 =	sld [smem:$0x3FB6]  }
0x2e: {  	s3 =	simm.s32 @!p0 $0x1082;
	s9 =	sld [smem:$0x3FB7]  }
0x2f: {  	lr =	sadd.s32 s0, s3;
	s0 =	sld [smem:$0x3FAE]  }
0x30: {  	s3 =	sld [smem:$0x3FB1]  }
0x31: {  	[smem:$0x3FBA] =	sst s10  }
0x32: {  	s10 =	sld [smem:$0x3FB8];
	_ =	sdelay $0x3  }
0x33: {  	p0 =	seq.s32 s10, $0x1;
	s10 =	sld [smem:$0x3FBA];
	_ =	sdelay $0x3  }
0x34: {  	[smem:$0x3FBA] =	sst s10  }
0x35: {  	s10 =	sld [smem:$0x3FB9];
	_ =	sdelay $0x3  }
0x36: {  	p1 =	seq.s32 s10, $0x1;
	s10 =	sld [smem:$0x3FBA];
	_ =	sdelay $0x3  }
0x37: {  	[smem:$0x3FBA] =	sst s10  }
0x38: {  	s10 =	sld [smem:$0x3FBB]  }
0x39: {  	_ = 	snop;
	(pc) =	sbr.ind lr, $3  }
0x3a: {  	_ = 	snop  }
0x3b: {  	_ = 	snop  }
0x3c: {  	p2 =	seq.s32 s10, $0x1;
	s10 =	sld [smem:$0x3FBA]  }
0x3d: {  	_ =	shalt  }
0x3e: {  	_ =	shalt  }
0x3f: {  	_ =	shalt  }
0x40: {  	_ =	shalt  }
0x41: {  	_ =	shalt  }
0x42: {  	_ =	shalt  }
0x43: {  	_ =	shalt  }
0x44: {  	_ =	shalt  }
0x45: {  	_ =	shalt  }
0x46: {  	_ =	shalt  }
0x47: {  	_ =	shalt  }
0x48: {  	_ =	shalt  }
0x49: {  	_ =	shalt  }
0x4a: {  	_ =	shalt  }
0x4b: {  	_ =	shalt  }
0x4c: {  	_ =	shalt  }
0x4d: {  	_ =	shalt  }
0x4e: {  	_ =	shalt  }
0x4f: {  	_ =	shalt  }
0x50: {  	_ =	shalt  }
0x51: {  	_ =	shalt  }
0x52: {  	_ =	shalt  }
0x53: {  	_ =	shalt  }
0x54: {  	_ =	shalt  }
0x55: {  	_ =	shalt  }
0x56: {  	_ =	shalt  }
0x57: {  	_ =	shalt  }
0x58: {  	_ =	shalt  }
0x59: {  	_ =	shalt  }
0x5a: {  	_ =	shalt  }
0x5b: {  	_ =	shalt  }
0x5c: {  	_ =	shalt  }
0x5d: {  	_ =	shalt  }
0x5e: {  	_ =	shalt  }
0x5f: {  	_ =	shalt  }
0x60: {  	_ =	shalt  }
0x61: {  	_ =	shalt  }
0x62: {  	_ =	shalt  }
0x63: {  	_ =	shalt  }
0x64: {  	_ =	shalt  }
0x65: {  	_ =	shalt  }
0x66: {  	_ =	shalt  }
0x67: {  	_ =	shalt  }
0x68: {  	_ =	shalt  }
0x69: {  	_ =	shalt  }
0x6a: {  	_ =	shalt  }
0x6b: {  	_ =	shalt  }
0x6c: {  	_ =	shalt  }
0x6d: {  	_ =	shalt  }
0x6e: {  	_ =	shalt  }
0x6f: {  	_ =	shalt  }
0x70: {  	_ =	shalt  }
0x71: {  	_ =	shalt  }
0x72: {  	_ =	shalt  }
0x73: {  	_ =	shalt  }
0x74: {  	_ =	shalt  }
0x75: {  	_ =	shalt  }
0x76: {  	_ =	shalt  }
0x77: {  	_ =	shalt  }
0x78: {  	_ =	shalt  }
0x79: {  	_ =	shalt  }
0x7a: {  	_ =	shalt  }
0x7b: {  	_ =	shalt  }
0x7c: {  	_ =	shalt  }
0x7d: {  	_ =	shalt  }
0x7e: {  	_ =	shalt  }
0x7f: {  	_ =	shalt  }
0x80: {  	_ =	shalt  }
0x81: {  	_ =	shalt  }
0x82: {  	_ =	shalt  }
0x83: {  	_ =	shalt  }
0x84: {  	_ =	shalt  }
0x85: {  	_ =	shalt  }
0x86: {  	_ =	shalt  }
0x87: {  	_ =	shalt  }
.Lfunc_end0:
.L_simem_size_0:
called_computation_lowered:
.L_overlay_start_0:
0x88: {  	s2 =	sld [smem:$0x3FD9]  }
0x89: {  	s3 =	sld [smem:$0x3FFE];
	_ =	sdelay $0x1  }
0x8a: {  	s1 =	srdreg.scid  }
0x8b: {  	s0 =	sand.u32 $0x1, s1  }
0x8c: {  	s17 =	sshll.u32 s0, $0xA;
	s2 =	sadd.s32 s3, s2  }
0x8d: {  	s2 =	sadd.s32 s2, s17  }
0x8e: {  	[smem:$0x3FC6] =	sst s2  }
0x8f: {  	_ = 	snop  }
0x90: {  	s2 =	sld [smem:$0x3FC9]  }
0x91: {  	s18 =	sld [smem:$0x3FD0];
	(tm) =	ssettm $0x1  }
0x92: {  	s4 =	sld [smem:$0x3FFB];
	_ =	sdelay $0x3  }
0x93: {  	_ =	strace s4  }
0x94: {  	s4 =	sld [smem:$0x3FFC];
	_ =	sdelay $0x3  }
0x95: {  	_ =	strace s4  }
0x96: {  	s4 =	sld [smem:$0x3FFD];
	_ =	sdelay $0x3  }
0x97: {  	_ =	strace s4  }
0x98: {  	_ =	strace $0x8FFFFFFF  }
0x99: {  	s19 =	sld [smem:$0x3FDB];
	_ =	sdelay $0x1  }
0x9a: {  	s5 =	simm.s32 $_scs_section_size  }
0x9b: {  	s6 =	simm.s32 $_size__tile_overlayer_lowered;
	s7 =	simm.s32 $_tile_overlayer_lowered  }
0x9c: {  	s22 =	simm.s32 $0x1BFF;
	s21 =	sshll.u32 s7, $0x1;
	s4 =	sadd.s32 s5, s19  }
0x9d: {  	s8 =	simm.s32 $0x0;
	s20 =	sshll.u32 s6, $0x1;
	s6 =	sadd.s32 s21, s4  }
0x9e: {  	[timem:s8], [sflag:s22] =	dma.local [hbm:s6], s20  }
0x9f: {  	_ =	swait.ge [sflag:s22], s20  }
0xa0: {  	s5 =	ssub.s32 $0x0, s20;
	[sflag:s22] =	ssyncset.done $0x0  }
0xa1: {  	[sflag:s22] =	ssyncadd.s32 s5;
	_ =	sdelay $0x1  }
0xa2: {  	s23 =	simm.s32 $0x1B8B  }
0xa3: {  	_ =	swait.ge [sflag:s23], $0x1  }
0xa4: {  	[sflag:s23] =	ssyncset.done $0x0  }
0xa5: {  	s25 =	simm.s32 $0x1B8E;
	s24 =	sld [smem:$0x3FFE];
	[sflag:s23] =	ssyncadd.s32 $0xFFFFFFFF  }
0xa6: {  	s26 =	simm.s32 $execute0_lowered;
	[smem:$0x3FD2] =	sst s25  }
0xa7: {  	s6 =	sshll.u32 s26, $0x1;
	_ =	strace $0x80000046;
	[dreg:$0x1] =	wrdreg $0xFFFFFFFF  }
0xa8: {  	s28 =	simm.s32 $_size_execute0_lowered;
	s4 =	sadd.s32 s4, s6;
	[dreg:$0x0] =	wrdreg $0x0  }
0xa9: {  	s6 =	sshll.u32 s28, $0x1;
	[dreg:$0x2] =	wrdreg s4  }
0xaa: {  	[dreg:$0x3] =	wrdreg s6  }
0xab: {  	[dreg:$0x4] =	wrdreg $0xC0  }
0xac: {  	_ =	task [dreg:s8], $0x5FFFF  }
0xad: {  	[dreg:$0x1] =	wrdreg $0xFFFFFFFF  }
0xae: {  	[dreg:$0x0] =	wrdreg $0x60  }
0xaf: {  	[dreg:$0x2] =	wrdreg s2  }
0xb0: {  	[dreg:$0x3] =	wrdreg s24  }
0xb1: {  	[dreg:$0x4] =	wrdreg s18  }
0xb2: {  	[dreg:$0x5] =	wrdreg $0x9  }
0xb3: {  	_ =	task.clear_ibuf [dreg:s8], $0x6FFFF;
	_ =	strace $0x90000046  }
0xb4: {  	s29 =	simm.s32 $0x9;
	_ =	strace $0x80000048  }
0xb5: {  	_ =	swait.ge [sflag:s29], $0x1  }
0xb6: {  	[sflag:s29] =	ssyncadd.s32 $0xFFFFFFFF  }
0xb7: {  	_ =	strace $0x90000048  }
0xb8: {  	_ =	sfence  }
0xb9: {  	s30 =	sld [smem:$0x0];
	_ =	sdelay $0x2  }
0xba: {  	s31 =	sshll.u32 s1, $0xD;
	s1 =	sshrl.u32 s1, $0x2  }
0xbb: {  	s3 =	sand.u32 $0x4000, s31;
	s1 =	sadd.s32 s1, s30  }
0xbc: {  	s0 =	sor.u32 s3, s0;
	s1 =	sshll.u32 s1, $0x11  }
0xbd: {  	s0 =	sor.u32 s1, s0  }
0xbe: {  	s0 =	sadd.s32 $0x8F2B, s0  }
0xbf: {  	[sflag:s0] =	ssyncadd.remote.s32 $0x1  }
0xc0: {  	_ =	sfence.sel $0xFFFF  }
0xc1: {  	[dreg:$0x0] =	wrdreg $0xFFFFFFFF;
	(pc) =	sbr.abs _section_cstart, $3  }
0xc2: {  	[dreg:$0x1] =	wrdreg $0xFFFFFFFF  }
0xc3: {  	_ =	task.clear_ibuf [dreg:s8], $0x2FFFF;
	_ =	strace $0x9FFFFFFF  }
0xc4: {  	(tm) =	ssettm $0x7FFFFFFF  }
0xc5: {  	_ =	shalt  }
tec
execute0_lowered:
.L_overlay_start_1:
0x0: {  	(tag) =	ssettag $0x1  }
0x1: {  	s1 =	rddreg [dreg:$0x0]  }
0x2: {  	s0 =	rddreg [dreg:$0x1];
	s2 =	srdreg.scid  }
0x3: {  	s14 =	stileid.u32;
	s4 =	rddreg [dreg:$0x2]  }
0x4: {  	s3 =	simm.s32 $0x0;
	s15 =	simm.s32 $0x4;
	s18 =	simm.s32 $0x14800  }
0x5: {  	s19 =	simm.s32 $0x15000;
	s20 =	simm.s32 $0x15800;
	s21 =	simm.s32 $0x16000  }
0x6: {  	s22 =	simm.s32 $0x16800;
	s23 =	simm.s32 $0x17000;
	s24 =	simm.s32 $0x17800  }
0x7: {  	s25 =	simm.s32 $0x18000;
	s28 =	simm.s32 $0x19000;
	s29 =	simm.s32 $0x19800  }
0x8: {  	s30 =	simm.s32 $0x1;
	s31 =	simm.s32 $0x2;
	s2 =	sand.u32 $0x1, s2  }
0x9: {  	s5 =	sshll.u32 s14, $0x1;
	[smem:$0x7FF] =	sst s3;
	s7 =	sshll.u32 s14, $0xB  }
0xa: {  	s8 =	sadd.s32 $0x400, s1;
	s9 =	sadd.s32 $0x500, s1;
	s10 =	sadd.s32 $0x600, s1  }
0xb: {  	s11 =	sadd.s32 $0x700, s1;
	s14 =	sshll.u32 s14, $0x13;
	s12 =	sor.u32 s2, s5  }
0xc: {  	_ =	strace $0x80000047;
	s6 =	ssub.s32 $0x2, s2;
	s17 =	sand.u32 $0x6000, s7  }
0xd: {  	s7 =	sadd.s32 $0x300, s1;
	s2 =	sshll.u32 s2, $0x12;
	s5 =	sshll.u32 s12, $0xA  }
0xe: {  	s16 =	sshrl.u32 s6, $0x1;
	s12 =	sshll.u32 s12, $0x12;
	s5 =	sand.u32 $0x1C00, s5  }
0xf: {  	s13 =	ssub.s32 s6, s16;
	s6 =	sadd.s32 $0x200, s1;
	s12 =	sadd.s32 s12, s4  }
0x10: {  	s4 =	sadd.s32 s14, s4;
	s16 =	simm.s32 $0x2000;
	s0 =	sadd.s32 s5, s0  }
.Ltmp0:
0x11: {  	s5 =	sadd.s32 $0x100, s1;
	s12 =	sadd.s32 $0x3F000, s12;
	(pc) =	sbr.rel .LBB2_1-.Ltmp0, $4  }
0x12: {  	s26 =	smax.u32 s13, $0x1;
	s2 =	sadd.s32 s2, s4;
	[dreg:$0x5] =	wrdreg s12  }
0x13: {  	v3 =	vlaneseq.u32;
	s4 =	simm.s32 $0x12000;
	s0 =	sadd.s32 $0x400, s0;
	[dreg:$0x6] =	wrdreg s26  }
0x14: {  	vm0 =	vmmov $0xffff;
	v1 =	vand.u32 $0x7, v3;
	v2 =	vshrl.u32 v3, $0x3;
	s2 =	sadd.s32 $0x2000, s2;
	s26 =	simm.s32 $0x18800;
	[dreg:$0x4] =	wrdreg s0  }
0x15: {  	v3 =	vor.u32 $0x8, v3;
	v2 =	vmul.u32 $0x8, v2;
	v0 =	vmov s17;
	s12 =	simm.s32 $0x0;
	[dreg:$0x7] =	wrdreg s2;
	s2 =	simm.s32 $0x3  }
.LBB2_6:
0x16: {  	_ =	swait.ge [sflag:s30], $0x8000  }
0x17: {  	[sflag:s30] =	ssyncset.done $0x0  }
0x18: {  	s0 =	rddreg [dreg:$0x5];
	[sflag:s30] =	ssyncadd.s32 $0xFFFF8000  }
0x19: {  	[hbm4b:s0+s3] =	stream.linear.scatter [tilespmem:s16], [sflag:$0x4], $0x8000, $0x38;
	[tilespmem:$0x1A000] =	vst v63  }
0x1a: {  	_ =	swait.ge [sflag:s15], $0x8000  }
0x1b: {  	s12 =	rddreg [dreg:$0x8]  }
0x1c: {  	s17 =	rddreg [dreg:$0x6];
	s12 =	sadd.s32 $0x1, s12  }
0x1d: {  	p0 =	sne.s32 s12, s17  }
.Ltmp1:
0x1e: {  	_ = 	snop;
	(pc) =	sbr.rel @!p0 .LBB2_7-.Ltmp1, $3  }
0x1f: {  	_ =	sdelay $0x1  }
0x20: {  	[sflag:s15] =	ssyncset.done $0x0  }
0x21: {  	[sflag:s15] =	ssyncadd.s32 $0xFFFF8000  }
.LBB2_1:
0x22: {  	[dreg:$0x8] =	wrdreg s12  }
0x23: {  	s0 =	rddreg [dreg:$0x4]  }
0x24: {  	[tilespmem:s3], [sflag:$0x4] =	stream.linear.gather [hbm4b:s0+s3], $0x2000, $0x38;
	[tilespmem:$0x1A000] =	vst v63  }
0x25: {  	_ =	swait.ge [sflag:s15], $0x2000  }
0x26: {  	[sflag:s15] =	ssyncset.done $0x0  }
0x27: {  	s12 =	simm.s32 $0x200;
	s0 =	simm.s32 $0x0;
	[sflag:s15] =	ssyncadd.s32 $0xFFFFE000  }
.LBB2_2:
0x28: {  	p0 =	sne.s32 s12, $0x7E00;
	v4 =	vld [tilespmem:s0+$0x0];
	_ =	sdelay $0x1  }
.Ltmp2:
0x29: {  	(pc) =	sbr.rel @p0 .LBB2_2-.Ltmp2, $3  }
0x2a: {  	_ =	sdelay $0x1  }
0x2b: {  	v4 =	vadd.s32 v0, v4  }
0x2c: {  	[tilespmem:s0+$0x0] =	vst v4;
	s0 =	sshra.s32 s12, $0x2;
	s12 =	sadd.s32 $0x200, s12  }
0x2d: {  	v4 =	vld [tilespmem:s0+$0x0];
	_ =	sdelay $0x4  }
0x2e: {  	v4 =	vadd.s32 v0, v4  }
0x2f: {  	[tilespmem:s0+$0x0] =	vst v4  }
0x30: {  	v4 =	vld [tilespmem:$0x0];
	_ =	sdelay $0x4  }
0x31: {  	v5 =	vshll.u32 v4, $0x4  }
0x32: {  	v4 =	vand.u32 $0x7, v4;
	v5 =	vand.u32 $0xFFFFFF80, v5  }
0x33: {  	v4 =	vor.u32 v4, v5  }
0x34: {  	v5 =	vperm.xlane v4, v1;
	_ =	sdelay $0x1  }
0x35: {  	v5 =	vadd.s32 v2, v5;
	_ =	sdelay $0x3  }
0x36: {  	s0 =	simm.s32 $0x0  }
0x37: {  	[tilespmem:s16], [sflag:$0x1] =	stream.indirect_vreg.gather [hbm4b:s1+s0], $0x80, v5, vm0, $0xb8;
	[tilespmem:$0x1A000] =	vst v63  }
0x38: {  	s12 =	simm.s32 $0x2800  }
0x39: {  	[tilespmem:s12], [sflag:$0x1] =	stream.indirect_vreg.gather [hbm4b:s5+s0], $0x80, v5, vm0, $0xb8;
	[tilespmem:$0x1A000] =	vst v63  }
0x3a: {  	s17 =	simm.s32 $0x3000  }
0x3b: {  	[tilespmem:s17], [sflag:$0x1] =	stream.indirect_vreg.gather [hbm4b:s6+s0], $0x80, v5, vm0, $0xb8;
	[tilespmem:$0x1A000] =	vst v63  }
0x3c: {  	s13 =	simm.s32 $0x3800  }
0x3d: {  	[tilespmem:s13], [sflag:$0x1] =	stream.indirect_vreg.gather [hbm4b:s7+s0], $0x80, v5, vm0, $0xb8;
	[tilespmem:$0x1A000] =	vst v63  }
0x3e: {  	s14 =	simm.s32 $0x4000  }
0x3f: {  	[tilespmem:s14], [sflag:$0x1] =	stream.indirect_vreg.gather [hbm4b:s8+s0], $0x80, v5, vm0, $0xb8;
	[tilespmem:$0x1A000] =	vst v63  }
0x40: {  	v4 =	vperm.xlane v4, v3;
	s17 =	simm.s32 $0x4800  }
0x41: {  	[tilespmem:s17], [sflag:$0x1] =	stream.indirect_vreg.gather [hbm4b:s9+s0], $0x80, v5, vm0, $0xb8;
	[tilespmem:$0x1A000] =	vst v63  }
0x42: {  	v4 =	vadd.s32 v2, v4;
	s13 =	simm.s32 $0x5000  }
0x43: {  	[tilespmem:s13], [sflag:$0x1] =	stream.indirect_vreg.gather [hbm4b:s10+s0], $0x80, v5, vm0, $0xb8;
	[tilespmem:$0x1A000] =	vst v63  }
0x44: {  	s14 =	simm.s32 $0x5800  }
0x45: {  	[tilespmem:s14], [sflag:$0x1] =	stream.indirect_vreg.gather [hbm4b:s11+s0], $0x80, v5, vm0, $0xb8;
	[tilespmem:$0x1A000] =	vst v63  }
0x46: {  	s17 =	simm.s32 $0x6000  }
0x47: {  	[tilespmem:s17], [sflag:$0x1] =	stream.indirect_vreg.gather [hbm4b:s1+s0], $0x80, v4, vm0, $0xb8;
	[tilespmem:$0x1A000] =	vst v63  }
0x48: {  	s13 =	simm.s32 $0x6800  }
0x49: {  	[tilespmem:s13], [sflag:$0x1] =	stream.indirect_vreg.gather [hbm4b:s5+s0], $0x80, v4, vm0, $0xb8;
	[tilespmem:$0x1A000] =	vst v63  }
0x4a: {  	s14 =	simm.s32 $0x7000  }
0x4b: {  	[tilespmem:s14], [sflag:$0x1] =	stream.indirect_vreg.gather [hbm4b:s6+s0], $0x80, v4, vm0, $0xb8;
	[tilespmem:$0x1A000] =	vst v63  }
0x4c: {  	s17 =	simm.s32 $0x7800  }
0x4d: {  	[tilespmem:s17], [sflag:$0x1] =	stream.indirect_vreg.gather [hbm4b:s7+s0], $0x80, v4, vm0, $0xb8;
	[tilespmem:$0x1A000] =	vst v63  }
0x4e: {  	s13 =	simm.s32 $0x8000  }
0x4f: {  	[tilespmem:s13], [sflag:$0x1] =	stream.indirect_vreg.gather [hbm4b:s8+s0], $0x80, v4, vm0, $0xb8;
	[tilespmem:$0x1A000] =	vst v63  }
0x50: {  	s14 =	simm.s32 $0x8800  }
0x51: {  	[tilespmem:s14], [sflag:$0x1] =	stream.indirect_vreg.gather [hbm4b:s9+s0], $0x80, v4, vm0, $0xb8;
	[tilespmem:$0x1A000] =	vst v63  }
0x52: {  	s17 =	simm.s32 $0x9000  }
0x53: {  	[tilespmem:s17], [sflag:$0x1] =	stream.indirect_vreg.gather [hbm4b:s10+s0], $0x80, v4, vm0, $0xb8;
	[tilespmem:$0x1A000] =	vst v63  }
0x54: {  	s13 =	simm.s32 $0x9800  }
0x55: {  	[tilespmem:s13], [sflag:$0x1] =	stream.indirect_vreg.gather [hbm4b:s11+s0], $0x80, v4, vm0, $0xb8;
	[tilespmem:$0x1A000] =	vst v63  }
0x56: {  	v4 =	vld [tilespmem:$0x80];
	_ =	sdelay $0x4  }
0x57: {  	v5 =	vshll.u32 v4, $0x4  }
0x58: {  	v4 =	vand.u32 $0x7, v4;
	v5 =	vand.u32 $0xFFFFFF80, v5  }
0x59: {  	v4 =	vor.u32 v4, v5  }
0x5a: {  	v5 =	vperm.xlane v4, v1;
	_ =	sdelay $0x1  }
0x5b: {  	v5 =	vadd.s32 v2, v5;
	_ =	sdelay $0x3  }
0x5c: {  	s14 =	simm.s32 $0xA000  }
0x5d: {  	[tilespmem:s14], [sflag:$0x2] =	stream.indirect_vreg.gather [hbm4b:s1+s0], $0x80, v5, vm0, $0xb8;
	[tilespmem:$0x1A000] =	vst v63  }
0x5e: {  	s17 =	simm.s32 $0xA800  }
0x5f: {  	[tilespmem:s17], [sflag:$0x2] =	stream.indirect_vreg.gather [hbm4b:s5+s0], $0x80, v5, vm0, $0xb8;
	[tilespmem:$0x1A000] =	vst v63  }
0x60: {  	s13 =	simm.s32 $0xB000  }
0x61: {  	[tilespmem:s13], [sflag:$0x2] =	stream.indirect_vreg.gather [hbm4b:s6+s0], $0x80, v5, vm0, $0xb8;
	[tilespmem:$0x1A000] =	vst v63  }
0x62: {  	s14 =	simm.s32 $0xB800  }
0x63: {  	[tilespmem:s14], [sflag:$0x2] =	stream.indirect_vreg.gather [hbm4b:s7+s0], $0x80, v5, vm0, $0xb8;
	[tilespmem:$0x1A000] =	vst v63  }
0x64: {  	s17 =	simm.s32 $0xC000  }
0x65: {  	[tilespmem:s17], [sflag:$0x2] =	stream.indirect_vreg.gather [hbm4b:s8+s0], $0x80, v5, vm0, $0xb8;
	[tilespmem:$0x1A000] =	vst v63  }
0x66: {  	v4 =	vperm.xlane v4, v3;
	s13 =	simm.s32 $0xC800  }
0x67: {  	[tilespmem:s13], [sflag:$0x2] =	stream.indirect_vreg.gather [hbm4b:s9+s0], $0x80, v5, vm0, $0xb8;
	[tilespmem:$0x1A000] =	vst v63  }
0x68: {  	v4 =	vadd.s32 v2, v4;
	s14 =	simm.s32 $0xD000  }
0x69: {  	[tilespmem:s14], [sflag:$0x2] =	stream.indirect_vreg.gather [hbm4b:s10+s0], $0x80, v5, vm0, $0xb8;
	[tilespmem:$0x1A000] =	vst v63  }
0x6a: {  	s17 =	simm.s32 $0xD800  }
0x6b: {  	[tilespmem:s17], [sflag:$0x2] =	stream.indirect_vreg.gather [hbm4b:s11+s0], $0x80, v5, vm0, $0xb8;
	[tilespmem:$0x1A000] =	vst v63  }
0x6c: {  	s13 =	simm.s32 $0xE000  }
0x6d: {  	[tilespmem:s13], [sflag:$0x2] =	stream.indirect_vreg.gather [hbm4b:s1+s0], $0x80, v4, vm0, $0xb8;
	[tilespmem:$0x1A000] =	vst v63  }
0x6e: {  	s14 =	simm.s32 $0xE800  }
0x6f: {  	[tilespmem:s14], [sflag:$0x2] =	stream.indirect_vreg.gather [hbm4b:s5+s0], $0x80, v4, vm0, $0xb8;
	[tilespmem:$0x1A000] =	vst v63  }
0x70: {  	s17 =	simm.s32 $0xF000  }
0x71: {  	[tilespmem:s17], [sflag:$0x2] =	stream.indirect_vreg.gather [hbm4b:s6+s0], $0x80, v4, vm0, $0xb8;
	[tilespmem:$0x1A000] =	vst v63  }
0x72: {  	s13 =	simm.s32 $0xF800  }
0x73: {  	[tilespmem:s13], [sflag:$0x2] =	stream.indirect_vreg.gather [hbm4b:s7+s0], $0x80, v4, vm0, $0xb8;
	[tilespmem:$0x1A000] =	vst v63  }
0x74: {  	s14 =	simm.s32 $0x10000  }
0x75: {  	[tilespmem:s14], [sflag:$0x2] =	stream.indirect_vreg.gather [hbm4b:s8+s0], $0x80, v4, vm0, $0xb8;
	[tilespmem:$0x1A000] =	vst v63  }
0x76: {  	s17 =	simm.s32 $0x10800  }
0x77: {  	[tilespmem:s17], [sflag:$0x2] =	stream.indirect_vreg.gather [hbm4b:s9+s0], $0x80, v4, vm0, $0xb8;
	[tilespmem:$0x1A000] =	vst v63  }
0x78: {  	s13 =	simm.s32 $0x11000  }
0x79: {  	[tilespmem:s13], [sflag:$0x2] =	stream.indirect_vreg.gather [hbm4b:s10+s0], $0x80, v4, vm0, $0xb8;
	[tilespmem:$0x1A000] =	vst v63  }
0x7a: {  	s14 =	simm.s32 $0x11800  }
0x7b: {  	[tilespmem:s14], [sflag:$0x2] =	stream.indirect_vreg.gather [hbm4b:s11+s0], $0x80, v4, vm0, $0xb8;
	[tilespmem:$0x1A000] =	vst v63  }
0x7c: {  	v4 =	vld [tilespmem:$0x100];
	_ =	sdelay $0x4  }
0x7d: {  	v5 =	vshll.u32 v4, $0x4  }
0x7e: {  	v4 =	vand.u32 $0x7, v4;
	v5 =	vand.u32 $0xFFFFFF80, v5  }
0x7f: {  	v4 =	vor.u32 v4, v5  }
0x80: {  	v5 =	vperm.xlane v4, v1;
	_ =	sdelay $0x1  }
0x81: {  	v5 =	vadd.s32 v2, v5;
	_ =	sdelay $0x4  }
0x82: {  	[tilespmem:s4], [sflag:$0x3] =	stream.indirect_vreg.gather [hbm4b:s1+s0], $0x80, v5, vm0, $0xb8;
	[tilespmem:$0x1A000] =	vst v63  }
0x83: {  	s17 =	simm.s32 $0x12800  }
0x84: {  	[tilespmem:s17], [sflag:$0x3] =	stream.indirect_vreg.gather [hbm4b:s5+s0], $0x80, v5, vm0, $0xb8;
	[tilespmem:$0x1A000] =	vst v63  }
0x85: {  	s13 =	simm.s32 $0x13000  }
0x86: {  	[tilespmem:s13], [sflag:$0x3] =	stream.indirect_vreg.gather [hbm4b:s6+s0], $0x80, v5, vm0, $0xb8;
	[tilespmem:$0x1A000] =	vst v63  }
0x87: {  	s14 =	simm.s32 $0x13800  }
0x88: {  	[tilespmem:s14], [sflag:$0x3] =	stream.indirect_vreg.gather [hbm4b:s7+s0], $0x80, v5, vm0, $0xb8;
	[tilespmem:$0x1A000] =	vst v63  }
0x89: {  	s17 =	simm.s32 $0x14000  }
0x8a: {  	[tilespmem:s17], [sflag:$0x3] =	stream.indirect_vreg.gather [hbm4b:s8+s0], $0x80, v5, vm0, $0xb8;
	[tilespmem:$0x1A000] =	vst v63  }
0x8b: {  	v4 =	vperm.xlane v4, v3  }
0x8c: {  	[tilespmem:s18], [sflag:$0x3] =	stream.indirect_vreg.gather [hbm4b:s9+s0], $0x80, v5, vm0, $0xb8;
	[tilespmem:$0x1A000] =	vst v63  }
0x8d: {  	v4 =	vadd.s32 v2, v4  }
0x8e: {  	[tilespmem:s19], [sflag:$0x3] =	stream.indirect_vreg.gather [hbm4b:s10+s0], $0x80, v5, vm0, $0xb8;
	[tilespmem:$0x1A000] =	vst v63  }
0x8f: {  	_ = 	snop  }
0x90: {  	[tilespmem:s20], [sflag:$0x3] =	stream.indirect_vreg.gather [hbm4b:s11+s0], $0x80, v5, vm0, $0xb8;
	[tilespmem:$0x1A000] =	vst v63  }
0x91: {  	_ = 	snop  }
0x92: {  	[tilespmem:s21], [sflag:$0x3] =	stream.indirect_vreg.gather [hbm4b:s1+s0], $0x80, v4, vm0, $0xb8;
	[tilespmem:$0x1A000] =	vst v63  }
0x93: {  	_ = 	snop  }
0x94: {  	[tilespmem:s22], [sflag:$0x3] =	stream.indirect_vreg.gather [hbm4b:s5+s0], $0x80, v4, vm0, $0xb8;
	[tilespmem:$0x1A000] =	vst v63  }
0x95: {  	_ = 	snop  }
0x96: {  	[tilespmem:s23], [sflag:$0x3] =	stream.indirect_vreg.gather [hbm4b:s6+s0], $0x80, v4, vm0, $0xb8;
	[tilespmem:$0x1A000] =	vst v63  }
0x97: {  	_ = 	snop  }
0x98: {  	[tilespmem:s24], [sflag:$0x3] =	stream.indirect_vreg.gather [hbm4b:s7+s0], $0x80, v4, vm0, $0xb8;
	[tilespmem:$0x1A000] =	vst v63  }
0x99: {  	_ = 	snop  }
0x9a: {  	[tilespmem:s25], [sflag:$0x3] =	stream.indirect_vreg.gather [hbm4b:s8+s0], $0x80, v4, vm0, $0xb8;
	[tilespmem:$0x1A000] =	vst v63  }
0x9b: {  	_ = 	snop  }
0x9c: {  	[tilespmem:s26], [sflag:$0x3] =	stream.indirect_vreg.gather [hbm4b:s9+s0], $0x80, v4, vm0, $0xb8;
	[tilespmem:$0x1A000] =	vst v63  }
0x9d: {  	_ = 	snop  }
0x9e: {  	[tilespmem:s28], [sflag:$0x3] =	stream.indirect_vreg.gather [hbm4b:s10+s0], $0x80, v4, vm0, $0xb8;
	[tilespmem:$0x1A000] =	vst v63  }
0x9f: {  	s12 =	rddreg [dreg:$0x7]  }
0xa0: {  	[tilespmem:s29], [sflag:$0x3] =	stream.indirect_vreg.gather [hbm4b:s11+s0], $0x80, v4, vm0, $0xb8;
	[tilespmem:$0x1A000] =	vst v63  }
.LBB2_4:
0xa1: {  	_ =	swait.ge [sflag:s30], $0x8000  }
0xa2: {  	[sflag:s30] =	ssyncset.done $0x0  }
0xa3: {  	s13 =	sadd.s32 $0xFFFFE000, s12;
	[sflag:s30] =	ssyncadd.s32 $0xFFFF8000  }
0xa4: {  	[hbm4b:s13+s3] =	stream.linear.scatter [tilespmem:s16], [sflag:$0x4], $0x8000, $0x38;
	[tilespmem:$0x1A000] =	vst v63  }
0xa5: {  	_ =	swait.ge [sflag:s15], $0x8000  }
0xa6: {  	[sflag:s15] =	ssyncset.done $0x0  }
0xa7: {  	s13 =	sshra.s32 s0, $0x2;
	[sflag:s15] =	ssyncadd.s32 $0xFFFF8000  }
0xa8: {  	v4 =	vld [tilespmem:s13+$0x180];
	_ =	sdelay $0x4  }
0xa9: {  	v5 =	vshll.u32 v4, $0x4  }
0xaa: {  	v4 =	vand.u32 $0x7, v4;
	v5 =	vand.u32 $0xFFFFFF80, v5  }
0xab: {  	v4 =	vor.u32 v4, v5  }
0xac: {  	v5 =	vperm.xlane v4, v1;
	_ =	sdelay $0x1  }
0xad: {  	v5 =	vadd.s32 v2, v5;
	_ =	sdelay $0x4  }
0xae: {  	[tilespmem:s16], [sflag:$0x1] =	stream.indirect_vreg.gather [hbm4b:s1+s3], $0x80, v5, vm0, $0xb8;
	[tilespmem:$0x1A000] =	vst v63  }
0xaf: {  	s14 =	simm.s32 $0x2800  }
0xb0: {  	[tilespmem:s14], [sflag:$0x1] =	stream.indirect_vreg.gather [hbm4b:s5+s3], $0x80, v5, vm0, $0xb8;
	[tilespmem:$0x1A000] =	vst v63  }
0xb1: {  	s17 =	simm.s32 $0x3000  }
0xb2: {  	[tilespmem:s17], [sflag:$0x1] =	stream.indirect_vreg.gather [hbm4b:s6+s3], $0x80, v5, vm0, $0xb8;
	[tilespmem:$0x1A000] =	vst v63  }
0xb3: {  	s17 =	simm.s32 $0x3800  }
0xb4: {  	[tilespmem:s17], [sflag:$0x1] =	stream.indirect_vreg.gather [hbm4b:s7+s3], $0x80, v5, vm0, $0xb8;
	[tilespmem:$0x1A000] =	vst v63  }
0xb5: {  	s17 =	simm.s32 $0x4000  }
0xb6: {  	[tilespmem:s17], [sflag:$0x1] =	stream.indirect_vreg.gather [hbm4b:s8+s3], $0x80, v5, vm0, $0xb8;
	[tilespmem:$0x1A000] =	vst v63  }
0xb7: {  	v4 =	vperm.xlane v4, v3;
	s17 =	simm.s32 $0x4800  }
0xb8: {  	[tilespmem:s17], [sflag:$0x1] =	stream.indirect_vreg.gather [hbm4b:s9+s3], $0x80, v5, vm0, $0xb8;
	[tilespmem:$0x1A000] =	vst v63  }
0xb9: {  	v4 =	vadd.s32 v2, v4;
	s17 =	simm.s32 $0x5000  }
0xba: {  	[tilespmem:s17], [sflag:$0x1] =	stream.indirect_vreg.gather [hbm4b:s10+s3], $0x80, v5, vm0, $0xb8;
	[tilespmem:$0x1A000] =	vst v63  }
0xbb: {  	s17 =	simm.s32 $0x5800  }
0xbc: {  	[tilespmem:s17], [sflag:$0x1] =	stream.indirect_vreg.gather [hbm4b:s11+s3], $0x80, v5, vm0, $0xb8;
	[tilespmem:$0x1A000] =	vst v63  }
0xbd: {  	s17 =	simm.s32 $0x6000  }
0xbe: {  	[tilespmem:s17], [sflag:$0x1] =	stream.indirect_vreg.gather [hbm4b:s1+s3], $0x80, v4, vm0, $0xb8;
	[tilespmem:$0x1A000] =	vst v63  }
0xbf: {  	s17 =	simm.s32 $0x6800  }
0xc0: {  	[tilespmem:s17], [sflag:$0x1] =	stream.indirect_vreg.gather [hbm4b:s5+s3], $0x80, v4, vm0, $0xb8;
	[tilespmem:$0x1A000] =	vst v63  }
0xc1: {  	s17 =	simm.s32 $0x7000  }
0xc2: {  	[tilespmem:s17], [sflag:$0x1] =	stream.indirect_vreg.gather [hbm4b:s6+s3], $0x80, v4, vm0, $0xb8;
	[tilespmem:$0x1A000] =	vst v63  }
0xc3: {  	s17 =	simm.s32 $0x7800  }
0xc4: {  	[tilespmem:s17], [sflag:$0x1] =	stream.indirect_vreg.gather [hbm4b:s7+s3], $0x80, v4, vm0, $0xb8;
	[tilespmem:$0x1A000] =	vst v63  }
0xc5: {  	s17 =	simm.s32 $0x8000  }
0xc6: {  	[tilespmem:s17], [sflag:$0x1] =	stream.indirect_vreg.gather [hbm4b:s8+s3], $0x80, v4, vm0, $0xb8;
	[tilespmem:$0x1A000] =	vst v63  }
0xc7: {  	s17 =	simm.s32 $0x8800  }
0xc8: {  	[tilespmem:s17], [sflag:$0x1] =	stream.indirect_vreg.gather [hbm4b:s9+s3], $0x80, v4, vm0, $0xb8;
	[tilespmem:$0x1A000] =	vst v63  }
0xc9: {  	s17 =	simm.s32 $0x9000  }
0xca: {  	[tilespmem:s17], [sflag:$0x1] =	stream.indirect_vreg.gather [hbm4b:s10+s3], $0x80, v4, vm0, $0xb8;
	[tilespmem:$0x1A000] =	vst v63  }
0xcb: {  	s17 =	simm.s32 $0x9800  }
0xcc: {  	[tilespmem:s17], [sflag:$0x1] =	stream.indirect_vreg.gather [hbm4b:s11+s3], $0x80, v4, vm0, $0xb8;
	[tilespmem:$0x1A000] =	vst v63  }
0xcd: {  	_ =	swait.ge [sflag:s31], $0x8000  }
0xce: {  	[sflag:s31] =	ssyncset.done $0x0  }
0xcf: {  	s14 =	sadd.s32 $0xFFFFF000, s12;
	s17 =	simm.s32 $0xA000;
	[sflag:s31] =	ssyncadd.s32 $0xFFFF8000  }
0xd0: {  	[hbm4b:s14+s3] =	stream.linear.scatter [tilespmem:s17], [sflag:$0x4], $0x8000, $0x38;
	[tilespmem:$0x1A000] =	vst v63  }
0xd1: {  	_ =	swait.ge [sflag:s15], $0x8000  }
0xd2: {  	p0 =	seq.s32 s0, $0x7800;
	[sflag:s15] =	ssyncset.done $0x0  }
0xd3: {  	s14 =	sshra.s32 @!p0 s0, $0x2;
	[sflag:s15] =	ssyncadd.s32 $0xFFFF8000  }
0xd4: {  	v4 =	vld @!p0 [tilespmem:s14+$0x200];
	_ =	sdelay $0x4  }
0xd5: {  	v5 =	vshll.u32 @!p0 v4, $0x4  }
0xd6: {  	v6 =	vlaneseq.u32 @!p0;
	v4 =	vand.u32 @!p0 $0x7, v4;
	v5 =	vand.u32 @!p0 $0xFFFFFF80, v5  }
0xd7: {  	v7 =	vshrl.u32 @!p0 v6, $0x3;
	v4 =	vor.u32 @!p0 v4, v5;
	v5 =	vand.u32 @!p0 $0x7, v6  }
0xd8: {  	v7 =	vmul.u32 @!p0 $0x8, v7;
	v5 =	vperm.xlane @!p0 v4, v5;
	_ =	sdelay $0x1  }
0xd9: {  	v5 =	vadd.s32 @!p0 v7, v5;
	_ =	sdelay $0x3  }
0xda: {  	vm1 =	vmmov @!p0 $0xffff;
	s17 =	simm.s32 @!p0 $0xA000;
	s14 =	simm.s32 @!p0 $0x0  }
0xdb: {  	[tilespmem:s17], [sflag:$0x2] =	stream.indirect_vreg.gather @!p0 [hbm4b:s1+s14], $0x80, v5, vm1, $0xb8;
	[tilespmem:$0x1A000] =	vst v63  }
0xdc: {  	s17 =	simm.s32 @!p0 $0xA800  }
0xdd: {  	[tilespmem:s17], [sflag:$0x2] =	stream.indirect_vreg.gather @!p0 [hbm4b:s5+s14], $0x80, v5, vm1, $0xb8;
	[tilespmem:$0x1A000] =	vst v63  }
0xde: {  	s17 =	simm.s32 @!p0 $0xB000  }
0xdf: {  	[tilespmem:s17], [sflag:$0x2] =	stream.indirect_vreg.gather @!p0 [hbm4b:s6+s14], $0x80, v5, vm1, $0xb8;
	[tilespmem:$0x1A000] =	vst v63  }
0xe0: {  	s17 =	simm.s32 @!p0 $0xB800  }
0xe1: {  	[tilespmem:s17], [sflag:$0x2] =	stream.indirect_vreg.gather @!p0 [hbm4b:s7+s14], $0x80, v5, vm1, $0xb8;
	[tilespmem:$0x1A000] =	vst v63  }
0xe2: {  	s17 =	simm.s32 @!p0 $0xC000  }
0xe3: {  	v6 =	vor.u32 @!p0 $0x8, v6;
	[tilespmem:s17], [sflag:$0x2] =	stream.indirect_vreg.gather @!p0 [hbm4b:s8+s14], $0x80, v5, vm1, $0xb8;
	[tilespmem:$0x1A000] =	vst v63  }
0xe4: {  	v4 =	vperm.xlane @!p0 v4, v6;
	s17 =	simm.s32 @!p0 $0xC800  }
0xe5: {  	[tilespmem:s17], [sflag:$0x2] =	stream.indirect_vreg.gather @!p0 [hbm4b:s9+s14], $0x80, v5, vm1, $0xb8;
	[tilespmem:$0x1A000] =	vst v63  }
0xe6: {  	v4 =	vadd.s32 @!p0 v7, v4;
	s17 =	simm.s32 @!p0 $0xD000  }
0xe7: {  	[tilespmem:s17], [sflag:$0x2] =	stream.indirect_vreg.gather @!p0 [hbm4b:s10+s14], $0x80, v5, vm1, $0xb8;
	[tilespmem:$0x1A000] =	vst v63  }
0xe8: {  	s17 =	simm.s32 @!p0 $0xD800  }
0xe9: {  	[tilespmem:s17], [sflag:$0x2] =	stream.indirect_vreg.gather @!p0 [hbm4b:s11+s14], $0x80, v5, vm1, $0xb8;
	[tilespmem:$0x1A000] =	vst v63  }
0xea: {  	s17 =	simm.s32 @!p0 $0xE000  }
0xeb: {  	[tilespmem:s17], [sflag:$0x2] =	stream.indirect_vreg.gather @!p0 [hbm4b:s1+s14], $0x80, v4, vm1, $0xb8;
	[tilespmem:$0x1A000] =	vst v63  }
0xec: {  	s17 =	simm.s32 @!p0 $0xE800  }
0xed: {  	[tilespmem:s17], [sflag:$0x2] =	stream.indirect_vreg.gather @!p0 [hbm4b:s5+s14], $0x80, v4, vm1, $0xb8;
	[tilespmem:$0x1A000] =	vst v63  }
0xee: {  	s17 =	simm.s32 @!p0 $0xF000  }
0xef: {  	[tilespmem:s17], [sflag:$0x2] =	stream.indirect_vreg.gather @!p0 [hbm4b:s6+s14], $0x80, v4, vm1, $0xb8;
	[tilespmem:$0x1A000] =	vst v63  }
0xf0: {  	s17 =	simm.s32 @!p0 $0xF800  }
0xf1: {  	[tilespmem:s17], [sflag:$0x2] =	stream.indirect_vreg.gather @!p0 [hbm4b:s7+s14], $0x80, v4, vm1, $0xb8;
	[tilespmem:$0x1A000] =	vst v63  }
0xf2: {  	s17 =	simm.s32 @!p0 $0x10000  }
0xf3: {  	[tilespmem:s17], [sflag:$0x2] =	stream.indirect_vreg.gather @!p0 [hbm4b:s8+s14], $0x80, v4, vm1, $0xb8;
	[tilespmem:$0x1A000] =	vst v63  }
0xf4: {  	s17 =	simm.s32 @!p0 $0x10800  }
0xf5: {  	[tilespmem:s17], [sflag:$0x2] =	stream.indirect_vreg.gather @!p0 [hbm4b:s9+s14], $0x80, v4, vm1, $0xb8;
	[tilespmem:$0x1A000] =	vst v63  }
0xf6: {  	s17 =	simm.s32 @!p0 $0x11000  }
0xf7: {  	[tilespmem:s17], [sflag:$0x2] =	stream.indirect_vreg.gather @!p0 [hbm4b:s10+s14], $0x80, v4, vm1, $0xb8;
	[tilespmem:$0x1A000] =	vst v63  }
0xf8: {  	s17 =	simm.s32 @!p0 $0x11800  }
0xf9: {  	[tilespmem:s17], [sflag:$0x2] =	stream.indirect_vreg.gather @!p0 [hbm4b:s11+s14], $0x80, v4, vm1, $0xb8;
	[tilespmem:$0x1A000] =	vst v63  }
0xfa: {  	_ =	swait.ge [sflag:s2], $0x8000  }
0xfb: {  	[sflag:s2] =	ssyncset.done $0x0  }
.Ltmp3:
0xfc: {  	[sflag:s2] =	ssyncadd.s32 $0xFFFF8000;
	(pc) =	sbr.rel @p0 .LBB2_6-.Ltmp3, $4  }
0xfd: {  	[hbm4b:s12+s3] =	stream.linear.scatter [tilespmem:s4], [sflag:$0x4], $0x8000, $0x38;
	[tilespmem:$0x1A000] =	vst v63  }
0xfe: {  	_ =	swait.ge [sflag:s15], $0x8000  }
0xff: {  	[sflag:s15] =	ssyncset.done $0x0  }
0x100: {  	[sflag:s15] =	ssyncadd.s32 $0xFFFF8000  }
0x101: {  	v4 =	vld [tilespmem:s13+$0x280];
	_ =	sdelay $0x4  }
0x102: {  	v5 =	vshll.u32 v4, $0x4  }
0x103: {  	v4 =	vand.u32 $0x7, v4;
	v5 =	vand.u32 $0xFFFFFF80, v5  }
0x104: {  	v4 =	vor.u32 v4, v5  }
0x105: {  	v5 =	vperm.xlane v4, v1;
	_ =	sdelay $0x1  }
0x106: {  	v5 =	vadd.s32 v2, v5;
	_ =	sdelay $0x4  }
0x107: {  	[tilespmem:s4], [sflag:$0x3] =	stream.indirect_vreg.gather [hbm4b:s1+s3], $0x80, v5, vm0, $0xb8;
	[tilespmem:$0x1A000] =	vst v63  }
0x108: {  	s14 =	simm.s32 $0x12800  }
0x109: {  	[tilespmem:s14], [sflag:$0x3] =	stream.indirect_vreg.gather [hbm4b:s5+s3], $0x80, v5, vm0, $0xb8;
	[tilespmem:$0x1A000] =	vst v63  }
0x10a: {  	s17 =	simm.s32 $0x13000  }
0x10b: {  	[tilespmem:s17], [sflag:$0x3] =	stream.indirect_vreg.gather [hbm4b:s6+s3], $0x80, v5, vm0, $0xb8;
	[tilespmem:$0x1A000] =	vst v63  }
0x10c: {  	s14 =	simm.s32 $0x13800  }
0x10d: {  	[tilespmem:s14], [sflag:$0x3] =	stream.indirect_vreg.gather [hbm4b:s7+s3], $0x80, v5, vm0, $0xb8;
	[tilespmem:$0x1A000] =	vst v63  }
0x10e: {  	s17 =	simm.s32 $0x14000  }
0x10f: {  	[tilespmem:s17], [sflag:$0x3] =	stream.indirect_vreg.gather [hbm4b:s8+s3], $0x80, v5, vm0, $0xb8;
	[tilespmem:$0x1A000] =	vst v63  }
0x110: {  	v4 =	vperm.xlane v4, v3  }
0x111: {  	[tilespmem:s18], [sflag:$0x3] =	stream.indirect_vreg.gather [hbm4b:s9+s3], $0x80, v5, vm0, $0xb8;
	[tilespmem:$0x1A000] =	vst v63  }
0x112: {  	v4 =	vadd.s32 v2, v4  }
0x113: {  	[tilespmem:s19], [sflag:$0x3] =	stream.indirect_vreg.gather [hbm4b:s10+s3], $0x80, v5, vm0, $0xb8;
	[tilespmem:$0x1A000] =	vst v63  }
0x114: {  	_ = 	snop  }
0x115: {  	[tilespmem:s20], [sflag:$0x3] =	stream.indirect_vreg.gather [hbm4b:s11+s3], $0x80, v5, vm0, $0xb8;
	[tilespmem:$0x1A000] =	vst v63  }
0x116: {  	_ = 	snop  }
0x117: {  	[tilespmem:s21], [sflag:$0x3] =	stream.indirect_vreg.gather [hbm4b:s1+s3], $0x80, v4, vm0, $0xb8;
	[tilespmem:$0x1A000] =	vst v63  }
0x118: {  	_ = 	snop  }
0x119: {  	[tilespmem:s22], [sflag:$0x3] =	stream.indirect_vreg.gather [hbm4b:s5+s3], $0x80, v4, vm0, $0xb8;
	[tilespmem:$0x1A000] =	vst v63  }
0x11a: {  	_ = 	snop  }
0x11b: {  	[tilespmem:s23], [sflag:$0x3] =	stream.indirect_vreg.gather [hbm4b:s6+s3], $0x80, v4, vm0, $0xb8;
	[tilespmem:$0x1A000] =	vst v63  }
0x11c: {  	_ = 	snop  }
0x11d: {  	[tilespmem:s24], [sflag:$0x3] =	stream.indirect_vreg.gather [hbm4b:s7+s3], $0x80, v4, vm0, $0xb8;
	[tilespmem:$0x1A000] =	vst v63  }
0x11e: {  	_ = 	snop  }
0x11f: {  	[tilespmem:s25], [sflag:$0x3] =	stream.indirect_vreg.gather [hbm4b:s8+s3], $0x80, v4, vm0, $0xb8;
	[tilespmem:$0x1A000] =	vst v63  }
0x120: {  	_ = 	snop  }
0x121: {  	[tilespmem:s26], [sflag:$0x3] =	stream.indirect_vreg.gather [hbm4b:s9+s3], $0x80, v4, vm0, $0xb8;
	[tilespmem:$0x1A000] =	vst v63  }
.Ltmp4:
0x122: {  	_ = 	snop;
	(pc) =	sbr.rel .LBB2_4-.Ltmp4, $4  }
0x123: {  	_ = 	snop  }
0x124: {  	[tilespmem:s28], [sflag:$0x3] =	stream.indirect_vreg.gather [hbm4b:s10+s3], $0x80, v4, vm0, $0xb8;
	[tilespmem:$0x1A000] =	vst v63  }
0x125: {  	s12 =	sadd.s32 $0x3000, s12;
	s0 =	sadd.s32 $0x600, s0  }
0x126: {  	[tilespmem:s29], [sflag:$0x3] =	stream.indirect_vreg.gather [hbm4b:s11+s3], $0x80, v4, vm0, $0xb8;
	[tilespmem:$0x1A000] =	vst v63  }
.LBB2_7:
0x127: {  	_ =	sfence.sel $0x180000  }
0x128: {  	[bflag:$0x0] =	sbarrier.arrive $0xFFFF  }
0x129: {  	_ =	strace $0x90000047  }
0x12a: {  	s0 =	stileid.u32;
	[bflag:$0x2] =	sbarrier.arrive $0xFFFF  }
0x12b: {  	p0 =	sne.s32 s0, $0x0;
	s0 =	rddreg [dreg:$0x3]  }
0x12c: {  	s0 =	sadd.s32 @!p0 $0x100000, s0  }
0x12d: {  	[sflag:s0] =	ssyncadd.tile.s32 @!p0 $0x1;
	_ =	shalt  }
.Lfunc_end2:
_tile_overlayer_lowered:
.L_overlay_start_2:
0x12e: {  	(tag) =	ssettag $0x2  }
0x12f: {  	s0 =	rddreg [dreg:$0x0];
	s2 =	stileid.u32  }
0x130: {  	s1 =	rddreg [dreg:$0x1];
	p0 =	sne.s32 s2, $0x0  }
0x131: {  	s3 =	rddreg [dreg:$0x2];
	[bflag:$0x3] =	sbarrier.arrive $0xFFFF;
	s2 =	simm.s32 @!p0 $0x1C04  }
0x132: {  	[timem:s3], [sflag:s2] =	dma.local @!p0 [hbm:s0], s1  }
0x133: {  	s0 =	simm.s32 @!p0 $0x4  }
0x134: {  	_ =	swait.ge @!p0 [sflag:s0], s1  }
0x135: {  	s1 =	ssub.s32 @!p0 $0x0, s1;
	[sflag:s0] =	ssyncset.done @!p0 $0x0  }
0x136: {  	[sflag:s0] =	ssyncadd.s32 @!p0 s1  }
0x137: {  	[bflag:$0x3] =	sbarrier.arrive $0xFFFF  }
0x138: {  	_ =	shalt  }

</sc_bundles>
